<compile_context>
chip_gen: v7x
topology: tpu7x:2x2x1
jax: 0.10.2.dev20260603
libtpu: 0.0.44.dev20260713+nightly
codegen_flags: <defaults>
</compile_context>

<pallas_src>
import functools

import jax
import jax.numpy as jnp
from jax import lax
from jax.experimental import pallas as pl
from jax.experimental.pallas import tpu as pltpu
from jax.experimental.pallas import tpu_sc as plsc

N_NODES = 100000
N_EDGES = 1600000
NUM_ELEMENTS = 100
EMBED_DIM = 56
NODE_DIM = 128
NUM_BASIS = 20
CUTOFF = 8.0

_NC = 2
_NS = 16
_NW = _NC * _NS

_E_PER_W = N_EDGES // _NW
_ECHUNK = 2000
_ECHUNKS = _E_PER_W // _ECHUNK

_NCHUNK = 400
_NCHUNKS_TOTAL = N_NODES // _NCHUNK
_NFULL = _NCHUNKS_TOTAL // _NW
_NREM = _NCHUNKS_TOTAL - _NFULL * _NW


_NBLK = 1024


def _node_body(at_ref, emb_ref, w_ref, b_ref, out_ref, nt_ref):
    @pl.when(pl.program_id(0) == 0)
    def _():
        nt_ref[...] = (
            jnp.dot(emb_ref[...], w_ref[...],
                    preferred_element_type=jnp.float32)
            + b_ref[...]
        )

    a = at_ref[...]
    rows = lax.broadcasted_iota(jnp.int32, (128, _NBLK), 0)
    m = (rows == a[None, :]).astype(jnp.float32)
    out_ref[...] = lax.dot_general(
        m, nt_ref[...], (((0,), (0,)), ((), ())),
        preferred_element_type=jnp.float32,
    )


def _node_embed(at_no, embpad, W, b2):
    return pl.pallas_call(
        _node_body,
        grid=((N_NODES + _NBLK - 1) // _NBLK,),
        in_specs=[
            pl.BlockSpec((_NBLK,), lambda i: (i,)),
            pl.BlockSpec((128, EMBED_DIM), lambda i: (0, 0)),
            pl.BlockSpec((EMBED_DIM, NODE_DIM), lambda i: (0, 0)),
            pl.BlockSpec((1, NODE_DIM), lambda i: (0, 0)),
        ],
        out_specs=pl.BlockSpec((_NBLK, NODE_DIM), lambda i: (i, 0)),
        out_shape=jax.ShapeDtypeStruct((N_NODES, NODE_DIM), jnp.float32),
        scratch_shapes=[pltpu.VMEM((128, NODE_DIM), jnp.float32)],
    )(at_no, embpad, W, b2)


_SPLITB = 32768


def _split_body(ei_ref, s_ref, d_ref):
    e = ei_ref[...]
    s_ref[...] = e[0]
    d_ref[...] = e[1]


def _edge_split(edge_index):
    return pl.pallas_call(
        _split_body,
        grid=((N_EDGES + _SPLITB - 1) // _SPLITB,),
        in_specs=[pl.BlockSpec((2, _SPLITB), lambda i: (0, i))],
        out_specs=[
            pl.BlockSpec((_SPLITB,), lambda i: (i,)),
            pl.BlockSpec((_SPLITB,), lambda i: (i,)),
        ],
        out_shape=[
            jax.ShapeDtypeStruct((N_EDGES,), jnp.int32),
            jax.ShapeDtypeStruct((N_EDGES,), jnp.int32),
        ],
    )(edge_index)


def _sc_body(src_hbm, dst_hbm, posf_hbm,
             d2_hbm, fc_hbm,
             sidx_v, didx_v,
             s3x_v, s3y_v, s3z_v, d3x_v, d3y_v, d3z_v,
             sx_v, sy_v, sz_v, tx_v, ty_v, tz_v, d2_v, fc_v,
             spf,
             sem_a, sem_b):
    c = lax.axis_index("c")
    s = lax.axis_index("s")
    wid = s * _NC + c

    @pl.when(s == 0)
    def _stage():
        pltpu.sync_copy(posf_hbm, spf)

    plsc.subcore_barrier()

    ebase = wid * _E_PER_W

    def echunk(j, carry):
        base = ebase + j * _ECHUNK
        pltpu.sync_copy(src_hbm.at[pl.ds(base, _ECHUNK)], sidx_v)
        pltpu.sync_copy(dst_hbm.at[pl.ds(base, _ECHUNK)], didx_v)

        def scale(i, carry2):
            sl = pl.ds(i * 16, 16)
            s3 = sidx_v[sl] * 3
            d3 = didx_v[sl] * 3
            s3x_v[sl] = s3
            s3y_v[sl] = s3 + 1
            s3z_v[sl] = s3 + 2
            d3x_v[sl] = d3
            d3y_v[sl] = d3 + 1
            d3z_v[sl] = d3 + 2
            return carry2

        lax.fori_loop(0, _ECHUNK // 16, scale, 0)

        cps = [
            pltpu.async_copy(spf.at[s3x_v], sx_v, sem_a),
            pltpu.async_copy(spf.at[s3y_v], sy_v, sem_a),
            pltpu.async_copy(spf.at[s3z_v], sz_v, sem_a),
            pltpu.async_copy(spf.at[d3x_v], tx_v, sem_b),
            pltpu.async_copy(spf.at[d3y_v], ty_v, sem_b),
            pltpu.async_copy(spf.at[d3z_v], tz_v, sem_b),
        ]
        for cp in cps:
            cp.wait()

        def inner(i, carry2):
            sl = pl.ds(i * 16, 16)
            vx = sx_v[sl] - tx_v[sl]
            vy = sy_v[sl] - ty_v[sl]
            vz = sz_v[sl] - tz_v[sl]
            t = vx * vx + vy * vy + vz * vz
            d2_v[sl] = t
            e = jnp.exp(-t / (CUTOFF * CUTOFF - t))
            fc_v[sl] = jnp.where(t < CUTOFF * CUTOFF, e, 0.0)
            return carry2

        lax.fori_loop(0, _ECHUNK // 16, inner, 0)
        q = base // 16000
        rem = base - q * 16000
        pltpu.sync_copy(d2_v, d2_hbm.at[pl.ds(q * 16384 + rem, _ECHUNK)])
        pltpu.sync_copy(fc_v, fc_hbm.at[pl.ds(base, _ECHUNK)])
        return carry

    lax.fori_loop(0, _ECHUNKS, echunk, 0)


def _sc_gather(src, dst, posf):
    mesh = plsc.VectorSubcoreMesh(core_axis_name="c", subcore_axis_name="s")
    f = functools.partial(
        pl.kernel,
        mesh=mesh,
        out_type=[
            jax.ShapeDtypeStruct((100 * 16384,), jnp.float32),
            jax.ShapeDtypeStruct((N_EDGES,), jnp.float32),
        ],
        scratch_types=[
            pltpu.VMEM((_ECHUNK,), jnp.int32),
            pltpu.VMEM((_ECHUNK,), jnp.int32),
            pltpu.VMEM((_ECHUNK,), jnp.int32),
            pltpu.VMEM((_ECHUNK,), jnp.int32),
            pltpu.VMEM((_ECHUNK,), jnp.int32),
            pltpu.VMEM((_ECHUNK,), jnp.int32),
            pltpu.VMEM((_ECHUNK,), jnp.int32),
            pltpu.VMEM((_ECHUNK,), jnp.int32),
            pltpu.VMEM((_ECHUNK,), jnp.float32),
            pltpu.VMEM((_ECHUNK,), jnp.float32),
            pltpu.VMEM((_ECHUNK,), jnp.float32),
            pltpu.VMEM((_ECHUNK,), jnp.float32),
            pltpu.VMEM((_ECHUNK,), jnp.float32),
            pltpu.VMEM((_ECHUNK,), jnp.float32),
            pltpu.VMEM((_ECHUNK,), jnp.float32),
            pltpu.VMEM((_ECHUNK,), jnp.float32),
            pltpu.VMEM_SHARED((3 * N_NODES,), jnp.float32),
            pltpu.SemaphoreType.DMA,
            pltpu.SemaphoreType.DMA,
        ],
    )(_sc_body)
    return f(src, dst, posf)


_R = 125
_QROWS = N_EDGES // 128
_GRID = _QROWS // _R
_NPAD = 24


def _edge_body(d2_ref, rbf_ref):
    d2 = d2_ref[0][:_R]
    dist = jnp.sqrt(d2)
    safe = jnp.maximum(dist, 1e-8)
    theta = safe * (jnp.pi / CUTOFF)
    s1 = jnp.sin(theta)
    c1 = jnp.cos(theta)

    inside = dist < CUTOFF
    dcl = jnp.where(inside, dist, 0.0)
    val = jnp.exp(-(dcl * dcl) / ((CUTOFF - dcl) * (CUTOFF + dcl)))
    fc = jnp.where(inside, val, 0.0)

    g = 0.5 * fc / safe
    twoc = 2.0 * c1

    rows = []
    s_nm2 = jnp.zeros_like(s1)
    s_nm1 = s1
    rows.append(g * s_nm1)
    for _ in range(NUM_BASIS - 1):
        s_n = twoc * s_nm1 - s_nm2
        rows.append(g * s_n)
        s_nm2, s_nm1 = s_nm1, s_n
    zero = jnp.zeros_like(s1)
    while len(rows) < _NPAD:
        rows.append(zero)

    aa = jnp.stack(rows, axis=0)

    r = lax.broadcasted_iota(jnp.int32, (_NPAD, _NPAD), 0)
    cidx = lax.broadcasted_iota(jnp.int32, (_NPAD, _NPAD), 1)
    eye = jnp.where(r == cidx, 1.0, 0.0).astype(jnp.float32)

    t = lax.dot_general(
        aa, eye, (((0,), (0,)), ((), ())),
        preferred_element_type=jnp.float32,
    )
    rbf_ref[...] = t[:, :, :NUM_BASIS].reshape(_R * 128, NUM_BASIS)


def _edge_math(d2q):
    return pl.pallas_call(
        _edge_body,
        grid=(_GRID,),
        in_specs=[pl.BlockSpec((1, 128, 128), lambda i: (i, 0, 0))],
        out_specs=pl.BlockSpec((_R * 128, NUM_BASIS), lambda i: (i, 0)),
        out_shape=jax.ShapeDtypeStruct((N_EDGES, NUM_BASIS), jnp.float32),
    )(d2q)


def kernel(at_no, pos, edge_index, embed_table, W, b):
    posf = pos.reshape(3 * N_NODES)
    src, dst = _edge_split(edge_index)
    embpad = jnp.pad(embed_table, ((0, 128 - NUM_ELEMENTS), (0, 0)))
    node = _node_embed(at_no, embpad, W, b.reshape(1, NODE_DIM))
    d2p, fc = _sc_gather(src, dst, posf)
    rbf = _edge_math(d2p.reshape(_GRID, 128, 128))
    return (node, rbf, fc.reshape(N_EDGES, 1))

# --- scband reference (transcript-rebuilt; emitter-appended) ---
"""Pipeline reference for scband-xmat-embedding-30348238913663 (READ-ONLY COPY).

The authoritative reference and input builder live on the scoring server;
editing this copy changes nothing except your own understanding.
"""

import jax, jax.numpy as jnp
import numpy as np

N_NODES = 100000
N_EDGES = 1600000
NUM_ELEMENTS = 100   # atomic-number table rows (Int2c1eEmbedding precomputed integrals)
EMBED_DIM = 56       # aux56 basis -> embed_dim of Int2c1eEmbedding
NODE_DIM = 128
NUM_BASIS = 20
CUTOFF = 8.0


def setup_inputs(seed: int = 0) -> dict:
    key = jax.random.key(seed)
    k1, k2, k3, k4, k5, k6 = jax.random.split(key, 6)
    at_no = jax.random.randint(k1, (N_NODES,), 0, 86, dtype=jnp.int32)
    pos = jax.random.normal(k2, (N_NODES, 3), dtype=jnp.float32) * 3.0
    edge_index = jax.random.randint(k3, (2, N_EDGES), 0, N_NODES, dtype=jnp.int32)
    # learned / precomputed parameters
    embed_table = jax.random.normal(k4, (NUM_ELEMENTS, EMBED_DIM), dtype=jnp.float32)
    W = jax.random.normal(k5, (EMBED_DIM, NODE_DIM), dtype=jnp.float32) * (1.0 / np.sqrt(EMBED_DIM))
    b = jnp.zeros((NODE_DIM,), dtype=jnp.float32)  # nn.init.zeros_(self.node_lin.bias)
    return {"at_no": at_no, "pos": pos, "edge_index": edge_index,
            "embed_table": embed_table, "W": W, "b": b}


def _bessel_rbf(dist):
    # BesselBasis: sqrt(2/c) * sin(n*pi*d/c) / d, n = 1..num_basis
    safe_d = jnp.where(dist > 1e-8, dist, 1e-8)
    n = jnp.arange(1, NUM_BASIS + 1, dtype=jnp.float32)[None, :]
    return jnp.sqrt(2.0 / CUTOFF) * jnp.sin(n * jnp.pi * safe_d / CUTOFF) / safe_d


def _exp_cutoff(dist):
    # ExponentialCutoff: exp(-d^2 / ((c-d)(c+d))) for d < c else 0
    d_ = jnp.where(dist < CUTOFF, dist, jnp.zeros_like(dist))
    val = jnp.exp(-(d_ ** 2) / ((CUTOFF - d_) * (CUTOFF + d_)))
    return jnp.where(dist < CUTOFF, val, jnp.zeros_like(dist))


def reference(at_no, pos, edge_index, embed_table, W, b):
    # Int2c1eEmbedding: precomputed-integral embedding lookup by atomic number
    x = jnp.take(embed_table, at_no, axis=0)            # [N, embed_dim]
    node = x @ W + b                                     # node_lin -> [N, node_dim]
    # edge geometry
    src = edge_index[0]
    dst = edge_index[1]
    vec = pos[src] - pos[dst]                            # gather [E, 3]
    dist = jnp.linalg.norm(vec, axis=-1, keepdims=True)  # [E, 1]
    rbf = _bessel_rbf(dist)                              # [E, num_basis]
    fcut = _exp_cutoff(dist)                             # [E, 1]
    rbf_env = rbf * fcut                                 # enveloped radial features
    return node, rbf_env, fcut

if __name__ == "__main__":
    import jax
    _d = setup_inputs()
    print(jax.jit(kernel)(*tuple(_d.values())))

</pallas_src>

<mosaic_0001>
#map = affine_map<(d0, d1) -> (0)>
module attributes {stable_mosaic.version = 14 : i64} {
  func.func @_sc_body(%arg0: i32, %arg1: i32, %arg2: memref<1600000xi32, #tpu.memory_space<hbm>>, %arg3: memref<1600000xi32, #tpu.memory_space<hbm>>, %arg4: memref<300000xf32, #tpu.memory_space<hbm>>, %arg5: memref<1638400xf32, #tpu.memory_space<hbm>>, %arg6: memref<1600000xf32, #tpu.memory_space<hbm>>, %arg7: memref<2000xi32, #tpu.memory_space<vmem>>, %arg8: memref<2000xi32, #tpu.memory_space<vmem>>, %arg9: memref<2000xi32, #tpu.memory_space<vmem>>, %arg10: memref<2000xi32, #tpu.memory_space<vmem>>, %arg11: memref<2000xi32, #tpu.memory_space<vmem>>, %arg12: memref<2000xi32, #tpu.memory_space<vmem>>, %arg13: memref<2000xi32, #tpu.memory_space<vmem>>, %arg14: memref<2000xi32, #tpu.memory_space<vmem>>, %arg15: memref<2000xf32, #tpu.memory_space<vmem>>, %arg16: memref<2000xf32, #tpu.memory_space<vmem>>, %arg17: memref<2000xf32, #tpu.memory_space<vmem>>, %arg18: memref<2000xf32, #tpu.memory_space<vmem>>, %arg19: memref<2000xf32, #tpu.memory_space<vmem>>, %arg20: memref<2000xf32, #tpu.memory_space<vmem>>, %arg21: memref<2000xf32, #tpu.memory_space<vmem>>, %arg22: memref<2000xf32, #tpu.memory_space<vmem>>, %arg23: memref<300000xf32, #tpu.memory_space<vmem_shared>>, %arg24: memref<!tpu.dma_semaphore, #tpu.memory_space<semaphore_mem>>, %arg25: memref<!tpu.dma_semaphore, #tpu.memory_space<semaphore_mem>>) attributes {dimension_semantics = [#tpu.dimension_semantics<core_parallel>, #tpu.dimension_semantics<subcore_parallel>], iteration_bounds = array<i64: 2, 16>, scalar_prefetch = 0 : i64, scratch_operands = 19 : i64, tpu.core_type = #tpu.core_type<sc_vector_subcore>, window_params = [{transform_indices = #map}, {transform_indices = #map}, {transform_indices = #map}, {transform_indices = #map}, {transform_indices = #map}]} {
    %mul3A = arith.constant 2 : i32
    %mul3A_0 = arith.muli %arg1, %mul3A : i32
    %add3A = arith.addi %mul3A_0, %arg0 : i32
    %eq3A = arith.constant 0 : i32
    %eq3A_1 = arith.cmpi eq, %arg1, %eq3A : i32
    %convert_element_type3A = arith.extui %eq3A_1 : i1 to i32
    %cond3A = arith.constant 0 : i32
    %cond3A_2 = arith.cmpi ne, %convert_element_type3A, %cond3A : i32
    scf.if %cond3A_2 {
      "tpu.region"() ({
        %run_scoped3A = tpu.sem_alloc : memref<!tpu.dma_semaphore, #tpu.memory_space<semaphore_mem>>
        tpu.enqueue_dma source(%arg4 : memref<300000xf32, #tpu.memory_space<hbm>>) target(%arg23 : memref<300000xf32, #tpu.memory_space<vmem_shared>>) target_semaphore(%run_scoped3A : memref<!tpu.dma_semaphore, #tpu.memory_space<semaphore_mem>>)
        tpu.wait_dma2 semaphore(%run_scoped3A : memref<!tpu.dma_semaphore, #tpu.memory_space<semaphore_mem>>) src(%arg4 : memref<300000xf32, #tpu.memory_space<hbm>>) dst(%arg23 : memref<300000xf32, #tpu.memory_space<vmem_shared>>)
        tpu.yield
      }) : () -> ()
    } else {
    }
    %barrier3A = arith.constant 0 : index
    tpu.barrier barrier_id(%barrier3A)
    %mul3A_3 = arith.constant 50000 : i32
    %mul3A_4 = arith.muli %add3A, %mul3A_3 : i32
    %scan3A = arith.constant 0 : i32
    %scan3A_5 = arith.constant 0 : i32
    %scan3A_6 = arith.constant 25 : i32
    %scan3A_7 = arith.addi %scan3A_5, %scan3A_6 : i32
    %scan3A_8 = arith.constant 1 : i32
    scf.for %scan3A_10 = %scan3A_5 to %scan3A_7 step %scan3A_8  : i32 {
      %mul3A_11 = arith.constant 2000 : i32
      %mul3A_12 = arith.muli %scan3A_10, %mul3A_11 : i32
      %add3A_13 = arith.addi %mul3A_4, %mul3A_12 : i32
      "tpu.region"() ({
        %run_scoped3A = tpu.sem_alloc : memref<!tpu.dma_semaphore, #tpu.memory_space<semaphore_mem>>
        %dma_start3A_70 = tpu.memref_slice %arg2[%add3A_13] : memref<1600000xi32, #tpu.memory_space<hbm>> -> memref<2000xi32, #tpu.memory_space<hbm>>
        %dma_start3A_71 = tpu.memref_slice %arg2[%add3A_13] : memref<1600000xi32, #tpu.memory_space<hbm>> -> memref<2000xi32, #tpu.memory_space<hbm>>
        tpu.enqueue_dma source(%dma_start3A_71 : memref<2000xi32, #tpu.memory_space<hbm>>) target(%arg7 : memref<2000xi32, #tpu.memory_space<vmem>>) target_semaphore(%run_scoped3A : memref<!tpu.dma_semaphore, #tpu.memory_space<semaphore_mem>>)
        %dma_wait3A_72 = tpu.memref_slice %arg2[%add3A_13] : memref<1600000xi32, #tpu.memory_space<hbm>> -> memref<2000xi32, #tpu.memory_space<hbm>>
        %dma_wait3A_73 = tpu.memref_slice %arg2[%add3A_13] : memref<1600000xi32, #tpu.memory_space<hbm>> -> memref<2000xi32, #tpu.memory_space<hbm>>
        tpu.wait_dma2 semaphore(%run_scoped3A : memref<!tpu.dma_semaphore, #tpu.memory_space<semaphore_mem>>) src(%dma_wait3A_73 : memref<2000xi32, #tpu.memory_space<hbm>>) dst(%arg7 : memref<2000xi32, #tpu.memory_space<vmem>>)
        tpu.yield
      }) : () -> ()
      "tpu.region"() ({
        %run_scoped3A = tpu.sem_alloc : memref<!tpu.dma_semaphore, #tpu.memory_space<semaphore_mem>>
        %dma_start3A_70 = tpu.memref_slice %arg3[%add3A_13] : memref<1600000xi32, #tpu.memory_space<hbm>> -> memref<2000xi32, #tpu.memory_space<hbm>>
        %dma_start3A_71 = tpu.memref_slice %arg3[%add3A_13] : memref<1600000xi32, #tpu.memory_space<hbm>> -> memref<2000xi32, #tpu.memory_space<hbm>>
        tpu.enqueue_dma source(%dma_start3A_71 : memref<2000xi32, #tpu.memory_space<hbm>>) target(%arg8 : memref<2000xi32, #tpu.memory_space<vmem>>) target_semaphore(%run_scoped3A : memref<!tpu.dma_semaphore, #tpu.memory_space<semaphore_mem>>)
        %dma_wait3A_72 = tpu.memref_slice %arg3[%add3A_13] : memref<1600000xi32, #tpu.memory_space<hbm>> -> memref<2000xi32, #tpu.memory_space<hbm>>
        %dma_wait3A_73 = tpu.memref_slice %arg3[%add3A_13] : memref<1600000xi32, #tpu.memory_space<hbm>> -> memref<2000xi32, #tpu.memory_space<hbm>>
        tpu.wait_dma2 semaphore(%run_scoped3A : memref<!tpu.dma_semaphore, #tpu.memory_space<semaphore_mem>>) src(%dma_wait3A_73 : memref<2000xi32, #tpu.memory_space<hbm>>) dst(%arg8 : memref<2000xi32, #tpu.memory_space<vmem>>)
        tpu.yield
      }) : () -> ()
      %scan3A_14 = arith.constant 0 : i32
      %scan3A_15 = arith.constant 0 : i32
      %scan3A_16 = arith.constant 125 : i32
      %scan3A_17 = arith.addi %scan3A_15, %scan3A_16 : i32
      %scan3A_18 = arith.constant 1 : i32
      scf.for %scan3A_70 = %scan3A_15 to %scan3A_17 step %scan3A_18  : i32 {
        %mul3A_71 = arith.constant 16 : i32
        %mul3A_72 = arith.muli %scan3A_70, %mul3A_71 : i32
        %get3A = arith.index_cast %mul3A_72 : i32 to index
        %get3A_73 = tpu.vector_load %arg7[%get3A] {strides = array<i32>} : memref<2000xi32, #tpu.memory_space<vmem>>, vector<16xi32>,
        %get3A_74 = vector.shape_cast %get3A_73 : vector<16xi32> to vector<16xi32>
        %mul3A_75 = arith.constant 3 : i32
        %mul3A_76 = vector.broadcast %mul3A_75 : i32 to vector<16xi32>
        %mul3A_77 = arith.muli %get3A_74, %mul3A_76 : vector<16xi32>
        %get3A_78 = arith.index_cast %mul3A_72 : i32 to index
        %get3A_79 = tpu.vector_load %arg8[%get3A_78] {strides = array<i32>} : memref<2000xi32, #tpu.memory_space<vmem>>, vector<16xi32>,
        %get3A_80 = vector.shape_cast %get3A_79 : vector<16xi32> to vector<16xi32>
        %mul3A_81 = arith.constant 3 : i32
        %mul3A_82 = vector.broadcast %mul3A_81 : i32 to vector<16xi32>
        %mul3A_83 = arith.muli %get3A_80, %mul3A_82 : vector<16xi32>
        %swap3A = arith.index_cast %mul3A_72 : i32 to index
        %swap3A_84 = tpu.vector_load %arg9[%swap3A] {strides = array<i32>} : memref<2000xi32, #tpu.memory_space<vmem>>, vector<16xi32>,
        %swap3A_85 = vector.shape_cast %swap3A_84 : vector<16xi32> to vector<16xi32>
        %swap3A_86 = vector.shape_cast %mul3A_77 : vector<16xi32> to vector<16xi32>
        tpu.vector_store %arg9[%swap3A], %swap3A_86 {strides = array<i32>} : memref<2000xi32, #tpu.memory_space<vmem>>, vector<16xi32>,
        %add3A_87 = arith.constant 1 : i32
        %add3A_88 = vector.broadcast %add3A_87 : i32 to vector<16xi32>
        %add3A_89 = arith.addi %mul3A_77, %add3A_88 : vector<16xi32>
        %swap3A_90 = arith.index_cast %mul3A_72 : i32 to index
        %swap3A_91 = tpu.vector_load %arg10[%swap3A_90] {strides = array<i32>} : memref<2000xi32, #tpu.memory_space<vmem>>, vector<16xi32>,
        %swap3A_92 = vector.shape_cast %swap3A_91 : vector<16xi32> to vector<16xi32>
        %swap3A_93 = vector.shape_cast %add3A_89 : vector<16xi32> to vector<16xi32>
        tpu.vector_store %arg10[%swap3A_90], %swap3A_93 {strides = array<i32>} : memref<2000xi32, #tpu.memory_space<vmem>>, vector<16xi32>,
        %add3A_94 = arith.constant 2 : i32
        %add3A_95 = vector.broadcast %add3A_94 : i32 to vector<16xi32>
        %add3A_96 = arith.addi %mul3A_77, %add3A_95 : vector<16xi32>
        %swap3A_97 = arith.index_cast %mul3A_72 : i32 to index
        %swap3A_98 = tpu.vector_load %arg11[%swap3A_97] {strides = array<i32>} : memref<2000xi32, #tpu.memory_space<vmem>>, vector<16xi32>,
        %swap3A_99 = vector.shape_cast %swap3A_98 : vector<16xi32> to vector<16xi32>
        %swap3A_100 = vector.shape_cast %add3A_96 : vector<16xi32> to vector<16xi32>
        tpu.vector_store %arg11[%swap3A_97], %swap3A_100 {strides = array<i32>} : memref<2000xi32, #tpu.memory_space<vmem>>, vector<16xi32>,
        %swap3A_101 = arith.index_cast %mul3A_72 : i32 to index
        %swap3A_102 = tpu.vector_load %arg12[%swap3A_101] {strides = array<i32>} : memref<2000xi32, #tpu.memory_space<vmem>>, vector<16xi32>,
        %swap3A_103 = vector.shape_cast %swap3A_102 : vector<16xi32> to vector<16xi32>
        %swap3A_104 = vector.shape_cast %mul3A_83 : vector<16xi32> to vector<16xi32>
        tpu.vector_store %arg12[%swap3A_101], %swap3A_104 {strides = array<i32>} : memref<2000xi32, #tpu.memory_space<vmem>>, vector<16xi32>,
        %add3A_105 = arith.constant 1 : i32
        %add3A_106 = vector.broadcast %add3A_105 : i32 to vector<16xi32>
        %add3A_107 = arith.addi %mul3A_83, %add3A_106 : vector<16xi32>
        %swap3A_108 = arith.index_cast %mul3A_72 : i32 to index
        %swap3A_109 = tpu.vector_load %arg13[%swap3A_108] {strides = array<i32>} : memref<2000xi32, #tpu.memory_space<vmem>>, vector<16xi32>,
        %swap3A_110 = vector.shape_cast %swap3A_109 : vector<16xi32> to vector<16xi32>
        %swap3A_111 = vector.shape_cast %add3A_107 : vector<16xi32> to vector<16xi32>
        tpu.vector_store %arg13[%swap3A_108], %swap3A_111 {strides = array<i32>} : memref<2000xi32, #tpu.memory_space<vmem>>, vector<16xi32>,
        %add3A_112 = arith.constant 2 : i32
        %add3A_113 = vector.broadcast %add3A_112 : i32 to vector<16xi32>
        %add3A_114 = arith.addi %mul3A_83, %add3A_113 : vector<16xi32>
        %swap3A_115 = arith.index_cast %mul3A_72 : i32 to index
        %swap3A_116 = tpu.vector_load %arg14[%swap3A_115] {strides = array<i32>} : memref<2000xi32, #tpu.memory_space<vmem>>, vector<16xi32>,
        %swap3A_117 = vector.shape_cast %swap3A_116 : vector<16xi32> to vector<16xi32>
        %swap3A_118 = vector.shape_cast %add3A_114 : vector<16xi32> to vector<16xi32>
        tpu.vector_store %arg14[%swap3A_115], %swap3A_118 {strides = array<i32>} : memref<2000xi32, #tpu.memory_space<vmem>>, vector<16xi32>,
      }
      %scan3A_19 = arith.constant 125 : i32
      %dma_start3A = arith.constant 0 : i32
      %dma_start3A_20 = tpu.memref_slice %arg23[%dma_start3A] : memref<300000xf32, #tpu.memory_space<vmem_shared>> -> memref<300000xf32, #tpu.memory_space<vmem_shared>>
      tpu.enqueue_indirect_dma source(%dma_start3A_20 : memref<300000xf32, #tpu.memory_space<vmem_shared>>) target(%arg15 : memref<2000xf32, #tpu.memory_space<vmem>>) offsets(%arg9 : memref<2000xi32, #tpu.memory_space<vmem>>) semaphore(%arg24 : memref<!tpu.dma_semaphore, #tpu.memory_space<semaphore_mem>>)
      %dma_start3A_21 = arith.constant 0 : i32
      %dma_start3A_22 = tpu.memref_slice %arg23[%dma_start3A_21] : memref<300000xf32, #tpu.memory_space<vmem_shared>> -> memref<300000xf32, #tpu.memory_space<vmem_shared>>
      tpu.enqueue_indirect_dma source(%dma_start3A_22 : memref<300000xf32, #tpu.memory_space<vmem_shared>>) target(%arg16 : memref<2000xf32, #tpu.memory_space<vmem>>) offsets(%arg10 : memref<2000xi32, #tpu.memory_space<vmem>>) semaphore(%arg24 : memref<!tpu.dma_semaphore, #tpu.memory_space<semaphore_mem>>)
      %dma_start3A_23 = arith.constant 0 : i32
      %dma_start3A_24 = tpu.memref_slice %arg23[%dma_start3A_23] : memref<300000xf32, #tpu.memory_space<vmem_shared>> -> memref<300000xf32, #tpu.memory_space<vmem_shared>>
      tpu.enqueue_indirect_dma source(%dma_start3A_24 : memref<300000xf32, #tpu.memory_space<vmem_shared>>) target(%arg17 : memref<2000xf32, #tpu.memory_space<vmem>>) offsets(%arg11 : memref<2000xi32, #tpu.memory_space<vmem>>) semaphore(%arg24 : memref<!tpu.dma_semaphore, #tpu.memory_space<semaphore_mem>>)
      %dma_start3A_25 = arith.constant 0 : i32
      %dma_start3A_26 = tpu.memref_slice %arg23[%dma_start3A_25] : memref<300000xf32, #tpu.memory_space<vmem_shared>> -> memref<300000xf32, #tpu.memory_space<vmem_shared>>
      tpu.enqueue_indirect_dma source(%dma_start3A_26 : memref<300000xf32, #tpu.memory_space<vmem_shared>>) target(%arg18 : memref<2000xf32, #tpu.memory_space<vmem>>) offsets(%arg12 : memref<2000xi32, #tpu.memory_space<vmem>>) semaphore(%arg25 : memref<!tpu.dma_semaphore, #tpu.memory_space<semaphore_mem>>)
      %dma_start3A_27 = arith.constant 0 : i32
      %dma_start3A_28 = tpu.memref_slice %arg23[%dma_start3A_27] : memref<300000xf32, #tpu.memory_space<vmem_shared>> -> memref<300000xf32, #tpu.memory_space<vmem_shared>>
      tpu.enqueue_indirect_dma source(%dma_start3A_28 : memref<300000xf32, #tpu.memory_space<vmem_shared>>) target(%arg19 : memref<2000xf32, #tpu.memory_space<vmem>>) offsets(%arg13 : memref<2000xi32, #tpu.memory_space<vmem>>) semaphore(%arg25 : memref<!tpu.dma_semaphore, #tpu.memory_space<semaphore_mem>>)
      %dma_start3A_29 = arith.constant 0 : i32
      %dma_start3A_30 = tpu.memref_slice %arg23[%dma_start3A_29] : memref<300000xf32, #tpu.memory_space<vmem_shared>> -> memref<300000xf32, #tpu.memory_space<vmem_shared>>
      tpu.enqueue_indirect_dma source(%dma_start3A_30 : memref<300000xf32, #tpu.memory_space<vmem_shared>>) target(%arg20 : memref<2000xf32, #tpu.memory_space<vmem>>) offsets(%arg14 : memref<2000xi32, #tpu.memory_space<vmem>>) semaphore(%arg25 : memref<!tpu.dma_semaphore, #tpu.memory_space<semaphore_mem>>)
      %dma_wait3A = arith.constant 0 : i32
      %dma_wait3A_31 = tpu.memref_slice %arg23[%dma_wait3A] : memref<300000xf32, #tpu.memory_space<vmem_shared>> -> memref<300000xf32, #tpu.memory_space<vmem_shared>>
      tpu.wait_indirect_dma semaphore(%arg24 : memref<!tpu.dma_semaphore, #tpu.memory_space<semaphore_mem>>) src(%dma_wait3A_31 : memref<300000xf32, #tpu.memory_space<vmem_shared>>) dst(%arg15 : memref<2000xf32, #tpu.memory_space<vmem>>)
      %dma_wait3A_32 = arith.constant 0 : i32
      %dma_wait3A_33 = tpu.memref_slice %arg23[%dma_wait3A_32] : memref<300000xf32, #tpu.memory_space<vmem_shared>> -> memref<300000xf32, #tpu.memory_space<vmem_shared>>
      tpu.wait_indirect_dma semaphore(%arg24 : memref<!tpu.dma_semaphore, #tpu.memory_space<semaphore_mem>>) src(%dma_wait3A_33 : memref<300000xf32, #tpu.memory_space<vmem_shared>>) dst(%arg16 : memref<2000xf32, #tpu.memory_space<vmem>>)
      %dma_wait3A_34 = arith.constant 0 : i32
      %dma_wait3A_35 = tpu.memref_slice %arg23[%dma_wait3A_34] : memref<300000xf32, #tpu.memory_space<vmem_shared>> -> memref<300000xf32, #tpu.memory_space<vmem_shared>>
      tpu.wait_indirect_dma semaphore(%arg24 : memref<!tpu.dma_semaphore, #tpu.memory_space<semaphore_mem>>) src(%dma_wait3A_35 : memref<300000xf32, #tpu.memory_space<vmem_shared>>) dst(%arg17 : memref<2000xf32, #tpu.memory_space<vmem>>)
      %dma_wait3A_36 = arith.constant 0 : i32
      %dma_wait3A_37 = tpu.memref_slice %arg23[%dma_wait3A_36] : memref<300000xf32, #tpu.memory_space<vmem_shared>> -> memref<300000xf32, #tpu.memory_space<vmem_shared>>
      tpu.wait_indirect_dma semaphore(%arg25 : memref<!tpu.dma_semaphore, #tpu.memory_space<semaphore_mem>>) src(%dma_wait3A_37 : memref<300000xf32, #tpu.memory_space<vmem_shared>>) dst(%arg18 : memref<2000xf32, #tpu.memory_space<vmem>>)
      %dma_wait3A_38 = arith.constant 0 : i32
      %dma_wait3A_39 = tpu.memref_slice %arg23[%dma_wait3A_38] : memref<300000xf32, #tpu.memory_space<vmem_shared>> -> memref<300000xf32, #tpu.memory_space<vmem_shared>>
      tpu.wait_indirect_dma semaphore(%arg25 : memref<!tpu.dma_semaphore, #tpu.memory_space<semaphore_mem>>) src(%dma_wait3A_39 : memref<300000xf32, #tpu.memory_space<vmem_shared>>) dst(%arg19 : memref<2000xf32, #tpu.memory_space<vmem>>)
      %dma_wait3A_40 = arith.constant 0 : i32
      %dma_wait3A_41 = tpu.memref_slice %arg23[%dma_wait3A_40] : memref<300000xf32, #tpu.memory_space<vmem_shared>> -> memref<300000xf32, #tpu.memory_space<vmem_shared>>
      tpu.wait_indirect_dma semaphore(%arg25 : memref<!tpu.dma_semaphore, #tpu.memory_space<semaphore_mem>>) src(%dma_wait3A_41 : memref<300000xf32, #tpu.memory_space<vmem_shared>>) dst(%arg20 : memref<2000xf32, #tpu.memory_space<vmem>>)
      %scan3A_42 = arith.constant 0 : i32
      %scan3A_43 = arith.constant 0 : i32
      %scan3A_44 = arith.constant 125 : i32
      %scan3A_45 = arith.addi %scan3A_43, %scan3A_44 : i32
      %scan3A_46 = arith.constant 1 : i32
      scf.for %scan3A_70 = %scan3A_43 to %scan3A_45 step %scan3A_46  : i32 {
        %mul3A_71 = arith.constant 16 : i32
        %mul3A_72 = arith.muli %scan3A_70, %mul3A_71 : i32
        %get3A = arith.index_cast %mul3A_72 : i32 to index
        %get3A_73 = tpu.vector_load %arg15[%get3A] {strides = array<i32>} : memref<2000xf32, #tpu.memory_space<vmem>>, vector<16xf32>,
        %get3A_74 = vector.shape_cast %get3A_73 : vector<16xf32> to vector<16xf32>
        %get3A_75 = arith.index_cast %mul3A_72 : i32 to index
        %get3A_76 = tpu.vector_load %arg18[%get3A_75] {strides = array<i32>} : memref<2000xf32, #tpu.memory_space<vmem>>, vector<16xf32>,
        %get3A_77 = vector.shape_cast %get3A_76 : vector<16xf32> to vector<16xf32>
        %sub3A_78 = arith.subf %get3A_74, %get3A_77 : vector<16xf32>
        %get3A_79 = arith.index_cast %mul3A_72 : i32 to index
        %get3A_80 = tpu.vector_load %arg16[%get3A_79] {strides = array<i32>} : memref<2000xf32, #tpu.memory_space<vmem>>, vector<16xf32>,
        %get3A_81 = vector.shape_cast %get3A_80 : vector<16xf32> to vector<16xf32>
        %get3A_82 = arith.index_cast %mul3A_72 : i32 to index
        %get3A_83 = tpu.vector_load %arg19[%get3A_82] {strides = array<i32>} : memref<2000xf32, #tpu.memory_space<vmem>>, vector<16xf32>,
        %get3A_84 = vector.shape_cast %get3A_83 : vector<16xf32> to vector<16xf32>
        %sub3A_85 = arith.subf %get3A_81, %get3A_84 : vector<16xf32>
        %get3A_86 = arith.index_cast %mul3A_72 : i32 to index
        %get3A_87 = tpu.vector_load %arg17[%get3A_86] {strides = array<i32>} : memref<2000xf32, #tpu.memory_space<vmem>>, vector<16xf32>,
        %get3A_88 = vector.shape_cast %get3A_87 : vector<16xf32> to vector<16xf32>
        %get3A_89 = arith.index_cast %mul3A_72 : i32 to index
        %get3A_90 = tpu.vector_load %arg20[%get3A_89] {strides = array<i32>} : memref<2000xf32, #tpu.memory_space<vmem>>, vector<16xf32>,
        %get3A_91 = vector.shape_cast %get3A_90 : vector<16xf32> to vector<16xf32>
        %sub3A_92 = arith.subf %get3A_88, %get3A_91 : vector<16xf32>
        %mul3A_93 = arith.mulf %sub3A_78, %sub3A_78 : vector<16xf32>
        %mul3A_94 = arith.mulf %sub3A_85, %sub3A_85 : vector<16xf32>
        %add3A_95 = arith.addf %mul3A_93, %mul3A_94 : vector<16xf32>
        %mul3A_96 = arith.mulf %sub3A_92, %sub3A_92 : vector<16xf32>
        %add3A_97 = arith.addf %add3A_95, %mul3A_96 : vector<16xf32>
        %swap3A = arith.index_cast %mul3A_72 : i32 to index
        %swap3A_98 = tpu.vector_load %arg21[%swap3A] {strides = array<i32>} : memref<2000xf32, #tpu.memory_space<vmem>>, vector<16xf32>,
        %swap3A_99 = vector.shape_cast %swap3A_98 : vector<16xf32> to vector<16xf32>
        %swap3A_100 = vector.shape_cast %add3A_97 : vector<16xf32> to vector<16xf32>
        tpu.vector_store %arg21[%swap3A], %swap3A_100 {strides = array<i32>} : memref<2000xf32, #tpu.memory_space<vmem>>, vector<16xf32>,
        %neg3A = arith.constant 0.000000e+00 : f32
        %neg3A_101 = vector.broadcast %neg3A : f32 to vector<16xf32>
        %neg3A_102 = arith.subf %neg3A_101, %add3A_97 : vector<16xf32>
        %sub3A_103 = arith.constant 6.400000e+01 : f32
        %sub3A_104 = vector.broadcast %sub3A_103 : f32 to vector<16xf32>
        %sub3A_105 = arith.subf %sub3A_104, %add3A_97 : vector<16xf32>
        %div3A_106 = arith.divf %neg3A_102, %sub3A_105 : vector<16xf32>
        %exp3A = math.exp %div3A_106 : vector<16xf32>
        %lt3A = arith.constant 6.400000e+01 : f32
        %lt3A_107 = vector.broadcast %lt3A : f32 to vector<16xf32>
        %lt3A_108 = arith.cmpf olt, %add3A_97, %lt3A_107 : vector<16xf32>
        %jit3A_109 = arith.constant 0.000000e+00 : f32
        %broadcast_in_dim3A = vector.broadcast %jit3A_109 : f32 to vector<16xf32>
        %select_n3A_110 = arith.select %lt3A_108, %exp3A, %broadcast_in_dim3A : vector<16xi1>, vector<16xf32>
        %swap3A_111 = arith.index_cast %mul3A_72 : i32 to index
        %swap3A_112 = tpu.vector_load %arg22[%swap3A_111] {strides = array<i32>} : memref<2000xf32, #tpu.memory_space<vmem>>, vector<16xf32>,
        %swap3A_113 = vector.shape_cast %swap3A_112 : vector<16xf32> to vector<16xf32>
        %swap3A_114 = vector.shape_cast %select_n3A_110 : vector<16xf32> to vector<16xf32>
        tpu.vector_store %arg22[%swap3A_111], %swap3A_114 {strides = array<i32>} : memref<2000xf32, #tpu.memory_space<vmem>>, vector<16xf32>,
      }
      %scan3A_47 = arith.constant 125 : i32
      %jit3A = arith.constant 16000 : i32
      %div3A = arith.divsi %add3A_13, %jit3A : i32
      %sign3A = arith.constant 0 : i32
      %sign3A_48 = arith.cmpi sgt, %add3A_13, %sign3A : i32
      %sign3A_49 = arith.extui %sign3A_48 : i1 to i32
      %sign3A_50 = arith.constant 0 : i32
      %sign3A_51 = arith.cmpi slt, %add3A_13, %sign3A_50 : i32
      %sign3A_52 = arith.extui %sign3A_51 : i1 to i32
      %sign3A_53 = arith.subi %sign3A_49, %sign3A_52 : i32
      %sign3A_54 = arith.constant 0 : i32
      %sign3A_55 = arith.cmpi sgt, %jit3A, %sign3A_54 : i32
      %sign3A_56 = arith.extui %sign3A_55 : i1 to i32
      %sign3A_57 = arith.constant 0 : i32
      %sign3A_58 = arith.cmpi slt, %jit3A, %sign3A_57 : i32
      %sign3A_59 = arith.extui %sign3A_58 : i1 to i32
      %sign3A_60 = arith.subi %sign3A_56, %sign3A_59 : i32
      %ne3A = arith.cmpi ne, %sign3A_53, %sign3A_60 : i32
      %rem3A = arith.remsi %add3A_13, %jit3A : i32
      %ne3A_61 = arith.constant 0 : i32
      %ne3A_62 = arith.cmpi ne, %rem3A, %ne3A_61 : i32
      %and3A = arith.andi %ne3A, %ne3A_62 : i1
      %sub3A = arith.constant 1 : i32
      %sub3A_63 = arith.subi %div3A, %sub3A : i32
      %select_n3A = arith.select %and3A, %sub3A_63, %div3A : i32
      %mul3A_64 = arith.constant 16000 : i32
      %mul3A_65 = arith.muli %select_n3A, %mul3A_64 : i32
      %sub3A_66 = arith.subi %add3A_13, %mul3A_65 : i32
      %mul3A_67 = arith.constant 16384 : i32
      %mul3A_68 = arith.muli %select_n3A, %mul3A_67 : i32
      %add3A_69 = arith.addi %mul3A_68, %sub3A_66 : i32
      "tpu.region"() ({
        %run_scoped3A = tpu.sem_alloc : memref<!tpu.dma_semaphore, #tpu.memory_space<semaphore_mem>>
        %dma_start3A_70 = tpu.memref_slice %arg5[%add3A_69] : memref<1638400xf32, #tpu.memory_space<hbm>> -> memref<2000xf32, #tpu.memory_space<hbm>>
        %dma_start3A_71 = tpu.memref_slice %arg5[%add3A_69] : memref<1638400xf32, #tpu.memory_space<hbm>> -> memref<2000xf32, #tpu.memory_space<hbm>>
        tpu.enqueue_dma source(%arg21 : memref<2000xf32, #tpu.memory_space<vmem>>) target(%dma_start3A_71 : memref<2000xf32, #tpu.memory_space<hbm>>) target_semaphore(%run_scoped3A : memref<!tpu.dma_semaphore, #tpu.memory_space<semaphore_mem>>)
        %dma_wait3A_72 = tpu.memref_slice %arg5[%add3A_69] : memref<1638400xf32, #tpu.memory_space<hbm>> -> memref<2000xf32, #tpu.memory_space<hbm>>
        %dma_wait3A_73 = tpu.memref_slice %arg5[%add3A_69] : memref<1638400xf32, #tpu.memory_space<hbm>> -> memref<2000xf32, #tpu.memory_space<hbm>>
        tpu.wait_dma2 semaphore(%run_scoped3A : memref<!tpu.dma_semaphore, #tpu.memory_space<semaphore_mem>>) src(%arg21 : memref<2000xf32, #tpu.memory_space<vmem>>) dst(%dma_wait3A_73 : memref<2000xf32, #tpu.memory_space<hbm>>)
        tpu.yield
      }) : () -> ()
      "tpu.region"() ({
        %run_scoped3A = tpu.sem_alloc : memref<!tpu.dma_semaphore, #tpu.memory_space<semaphore_mem>>
        %dma_start3A_70 = tpu.memref_slice %arg6[%add3A_13] : memref<1600000xf32, #tpu.memory_space<hbm>> -> memref<2000xf32, #tpu.memory_space<hbm>>
        %dma_start3A_71 = tpu.memref_slice %arg6[%add3A_13] : memref<1600000xf32, #tpu.memory_space<hbm>> -> memref<2000xf32, #tpu.memory_space<hbm>>
        tpu.enqueue_dma source(%arg22 : memref<2000xf32, #tpu.memory_space<vmem>>) target(%dma_start3A_71 : memref<2000xf32, #tpu.memory_space<hbm>>) target_semaphore(%run_scoped3A : memref<!tpu.dma_semaphore, #tpu.memory_space<semaphore_mem>>)
        %dma_wait3A_72 = tpu.memref_slice %arg6[%add3A_13] : memref<1600000xf32, #tpu.memory_space<hbm>> -> memref<2000xf32, #tpu.memory_space<hbm>>
        %dma_wait3A_73 = tpu.memref_slice %arg6[%add3A_13] : memref<1600000xf32, #tpu.memory_space<hbm>> -> memref<2000xf32, #tpu.memory_space<hbm>>
        tpu.wait_dma2 semaphore(%run_scoped3A : memref<!tpu.dma_semaphore, #tpu.memory_space<semaphore_mem>>) src(%arg22 : memref<2000xf32, #tpu.memory_space<vmem>>) dst(%dma_wait3A_73 : memref<2000xf32, #tpu.memory_space<hbm>>)
        tpu.yield
      }) : () -> ()
    }
    %scan3A_9 = arith.constant 25 : i32
    return
  }
}

module attributes {stable_mosaic.version = 14 : i64} {
  func.func @_split_body(%arg0: i32, %arg1: memref<2x32768xi32, #tpu.memory_space<vmem>>, %arg2: memref<32768xi32, #tpu.memory_space<vmem>>, %arg3: memref<32768xi32, #tpu.memory_space<vmem>>) attributes {dimension_semantics = [#tpu.dimension_semantics<arbitrary>], iteration_bounds = array<i64: 49>, scalar_prefetch = 0 : i64, scratch_operands = 0 : i64, tpu.core_type = #tpu.core_type<tc>, window_params = [{transform_indices = @transform_0, window_bounds = array<i64: 2, 32768>}, {transform_indices = @transform_1, window_bounds = array<i64: 32768>}, {transform_indices = @transform_2, window_bounds = array<i64: 32768>}]} {
    %get3A = arith.constant 0 : index
    %get3A_0 = arith.constant 0 : index
    %get3A_1 = vector.load %arg1[%get3A, %get3A_0] : memref<2x32768xi32, #tpu.memory_space<vmem>>, vector<2x32768xi32>
    %slice3A = vector.extract_strided_slice %get3A_1 {offsets = [0, 0], sizes = [1, 32768], strides = [1, 1]} : vector<2x32768xi32> to vector<1x32768xi32>
    %squeeze3A = vector.shape_cast %slice3A : vector<1x32768xi32> to vector<32768xi32>
    %swap3A = arith.constant 0 : index
    %swap3A_2 = vector.load %arg2[%swap3A] : memref<32768xi32, #tpu.memory_space<vmem>>, vector<32768xi32>
    tpu.vector_store %arg2[%swap3A], %squeeze3A {strides = array<i32>} : memref<32768xi32, #tpu.memory_space<vmem>>, vector<32768xi32>,
    %slice3A_3 = vector.extract_strided_slice %get3A_1 {offsets = [1, 0], sizes = [1, 32768], strides = [1, 1]} : vector<2x32768xi32> to vector<1x32768xi32>
    %squeeze3A_4 = vector.shape_cast %slice3A_3 : vector<1x32768xi32> to vector<32768xi32>
    %swap3A_5 = arith.constant 0 : index
    %swap3A_6 = vector.load %arg3[%swap3A_5] : memref<32768xi32, #tpu.memory_space<vmem>>, vector<32768xi32>
    tpu.vector_store %arg3[%swap3A_5], %squeeze3A_4 {strides = array<i32>} : memref<32768xi32, #tpu.memory_space<vmem>>, vector<32768xi32>,
    return
  }
  func.func @transform_0(%arg0: i32) -> (i32, i32) {
    %c0_i32 = arith.constant 0 : i32
    %c0_i32_0 = arith.constant 0 : i32
    return %c0_i32, %arg0 : i32, i32
  }
  func.func @transform_1(%arg0: i32) -> i32 {
    %c0_i32 = arith.constant 0 : i32
    return %arg0 : i32
  }
  func.func @transform_2(%arg0: i32) -> i32 {
    %c0_i32 = arith.constant 0 : i32
    return %arg0 : i32
  }
}

module attributes {stable_mosaic.version = 14 : i64} {
  func.func @_node_body(%arg0: i32, %arg1: memref<1024xi32, #tpu.memory_space<vmem>>, %arg2: memref<128x56xf32, #tpu.memory_space<vmem>>, %arg3: memref<56x128xf32, #tpu.memory_space<vmem>>, %arg4: memref<1x128xf32, #tpu.memory_space<vmem>>, %arg5: memref<1024x128xf32, #tpu.memory_space<vmem>>, %arg6: memref<128x128xf32, #tpu.memory_space<vmem>>) attributes {dimension_semantics = [#tpu.dimension_semantics<arbitrary>], iteration_bounds = array<i64: 98>, scalar_prefetch = 0 : i64, scratch_operands = 1 : i64, tpu.core_type = #tpu.core_type<tc>, window_params = [{transform_indices = @transform_0, window_bounds = array<i64: 1024>}, {pipeline_mode = #tpu.pipeline_mode<synchronous>, transform_indices = @transform_1, window_bounds = array<i64: 128, 56>}, {pipeline_mode = #tpu.pipeline_mode<synchronous>, transform_indices = @transform_2, window_bounds = array<i64: 56, 128>}, {pipeline_mode = #tpu.pipeline_mode<synchronous>, transform_indices = @transform_3, window_bounds = array<i64: 1, 128>}, {transform_indices = @transform_4, window_bounds = array<i64: 1024, 128>}]} {
    %eq3A = arith.constant 0 : i32
    %eq3A_0 = arith.cmpi eq, %arg0, %eq3A : i32
    %convert_element_type3A = arith.extui %eq3A_0 : i1 to i32
    %cond3A = arith.constant 0 : i32
    %cond3A_1 = arith.cmpi ne, %convert_element_type3A, %cond3A : i32
    scf.if %cond3A_1 {
      %get3A_13 = arith.constant 0 : index
      %get3A_14 = arith.constant 0 : index
      %get3A_15 = vector.load %arg2[%get3A_13, %get3A_14] : memref<128x56xf32, #tpu.memory_space<vmem>>, vector<128x56xf32>
      %get3A_16 = arith.constant 0 : index
      %get3A_17 = arith.constant 0 : index
      %get3A_18 = vector.load %arg3[%get3A_16, %get3A_17] : memref<56x128xf32, #tpu.memory_space<vmem>>, vector<56x128xf32>
      %dot_general3A_19 = arith.constant dense<0.000000e+00> : vector<128x128xf32>
      %dot_general3A_20 = tpu.matmul %get3A_15, %get3A_18, %dot_general3A_19 {dimension_numbers = #tpu.dot_dimension_numbers<[1], [0], [0], [1], [0, 0, 1, 1], [], []>, transpose_lhs_hint = false} : vector<128x56xf32>, vector<56x128xf32>, vector<128x128xf32> -> vector<128x128xf32>
      %get3A_21 = arith.constant 0 : index
      %get3A_22 = arith.constant 0 : index
      %get3A_23 = vector.load %arg4[%get3A_21, %get3A_22] : memref<1x128xf32, #tpu.memory_space<vmem>>, vector<1x128xf32>
      %add3A = vector.broadcast %get3A_23 : vector<1x128xf32> to vector<128x128xf32>
      %add3A_24 = arith.addf %dot_general3A_20, %add3A : vector<128x128xf32>
      %swap3A_25 = arith.constant 0 : index
      %swap3A_26 = arith.constant 0 : index
      %swap3A_27 = vector.load %arg6[%swap3A_25, %swap3A_26] : memref<128x128xf32, #tpu.memory_space<vmem>>, vector<128x128xf32>
      tpu.vector_store %arg6[%swap3A_25, %swap3A_26], %add3A_24 {strides = array<i32>} : memref<128x128xf32, #tpu.memory_space<vmem>>, vector<128x128xf32>,
    } else {
    }
    %get3A = arith.constant 0 : index
    %get3A_2 = vector.load %arg1[%get3A] : memref<1024xi32, #tpu.memory_space<vmem>>, vector<1024xi32>
    %iota3A = tpu.iota {dimensions = array<i32: 0>} : vector<128x1024xi32>
    %broadcast_in_dim3A = vector.shape_cast %get3A_2 : vector<1024xi32> to vector<1x1024xi32>
    %eq3A_3 = vector.broadcast %broadcast_in_dim3A : vector<1x1024xi32> to vector<128x1024xi32>
    %eq3A_4 = arith.cmpi eq, %iota3A, %eq3A_3 : vector<128x1024xi32>
    %convert_element_type3A_5 = arith.extui %eq3A_4 : vector<128x1024xi1> to vector<128x1024xi32>
    %convert_element_type3A_6 = arith.sitofp %convert_element_type3A_5 : vector<128x1024xi32> to vector<128x1024xf32>
    %get3A_7 = arith.constant 0 : index
    %get3A_8 = arith.constant 0 : index
    %get3A_9 = vector.load %arg6[%get3A_7, %get3A_8] : memref<128x128xf32, #tpu.memory_space<vmem>>, vector<128x128xf32>
    %dot_general3A = arith.constant dense<0.000000e+00> : vector<1024x128xf32>
    %dot_general3A_10 = tpu.matmul %convert_element_type3A_6, %get3A_9, %dot_general3A {dimension_numbers = #tpu.dot_dimension_numbers<[0], [0], [1], [1], [0, 1, 1, 1], [], []>, transpose_lhs_hint = false} : vector<128x1024xf32>, vector<128x128xf32>, vector<1024x128xf32> -> vector<1024x128xf32>
    %swap3A = arith.constant 0 : index
    %swap3A_11 = arith.constant 0 : index
    %swap3A_12 = vector.load %arg5[%swap3A, %swap3A_11] : memref<1024x128xf32, #tpu.memory_space<vmem>>, vector<1024x128xf32>
    tpu.vector_store %arg5[%swap3A, %swap3A_11], %dot_general3A_10 {strides = array<i32>} : memref<1024x128xf32, #tpu.memory_space<vmem>>, vector<1024x128xf32>,
    return
  }
  func.func @transform_0(%arg0: i32) -> i32 {
    %c0_i32 = arith.constant 0 : i32
    return %arg0 : i32
  }
  func.func @transform_1(%arg0: i32) -> (i32, i32) {
    %c0_i32 = arith.constant 0 : i32
    %c0_i32_0 = arith.constant 0 : i32
    %c0_i32_1 = arith.constant 0 : i32
    return %c0_i32, %c0_i32_0 : i32, i32
  }
  func.func @transform_2(%arg0: i32) -> (i32, i32) {
    %c0_i32 = arith.constant 0 : i32
    %c0_i32_0 = arith.constant 0 : i32
    %c0_i32_1 = arith.constant 0 : i32
    return %c0_i32, %c0_i32_0 : i32, i32
  }
  func.func @transform_3(%arg0: i32) -> (i32, i32) {
    %c0_i32 = arith.constant 0 : i32
    %c0_i32_0 = arith.constant 0 : i32
    %c0_i32_1 = arith.constant 0 : i32
    return %c0_i32, %c0_i32_0 : i32, i32
  }
  func.func @transform_4(%arg0: i32) -> (i32, i32) {
    %c0_i32 = arith.constant 0 : i32
    %c0_i32_0 = arith.constant 0 : i32
    return %arg0, %c0_i32 : i32, i32
  }
}

module attributes {stable_mosaic.version = 14 : i64} {
  func.func @_edge_body(%arg0: i32, %arg1: memref<1x128x128xf32, #tpu.memory_space<vmem>>, %arg2: memref<16000x20xf32, #tpu.memory_space<vmem>>) attributes {dimension_semantics = [#tpu.dimension_semantics<arbitrary>], iteration_bounds = array<i64: 100>, scalar_prefetch = 0 : i64, scratch_operands = 0 : i64, tpu.core_type = #tpu.core_type<tc>, window_params = [{transform_indices = @transform_0, window_bounds = array<i64: 1, 128, 128>}, {transform_indices = @transform_1, window_bounds = array<i64: 16000, 20>}]} {
    %get3A = arith.constant 0 : index
    %get3A_0 = arith.constant 0 : index
    %get3A_1 = arith.constant 0 : index
    %get3A_2 = vector.load %arg1[%get3A, %get3A_0, %get3A_1] : memref<1x128x128xf32, #tpu.memory_space<vmem>>, vector<1x128x128xf32>
    %get3A_3 = vector.shape_cast %get3A_2 : vector<1x128x128xf32> to vector<128x128xf32>
    %slice3A = vector.extract_strided_slice %get3A_3 {offsets = [0, 0], sizes = [125, 128], strides = [1, 1]} : vector<128x128xf32> to vector<125x128xf32>
    %sqrt3A = math.sqrt %slice3A : vector<125x128xf32>
    %max3A = arith.constant 9.99999993E-9 : f32
    %max3A_4 = vector.broadcast %max3A : f32 to vector<125x128xf32>
    %max3A_5 = arith.maximumf %sqrt3A, %max3A_4 : vector<125x128xf32>
    %mul3A = arith.constant 0.392699093 : f32
    %mul3A_6 = vector.broadcast %mul3A : f32 to vector<125x128xf32>
    %mul3A_7 = arith.mulf %max3A_5, %mul3A_6 : vector<125x128xf32>
    %sin3A = math.sin %mul3A_7 : vector<125x128xf32>
    %cos3A = math.cos %mul3A_7 : vector<125x128xf32>
    %lt3A = arith.constant 8.000000e+00 : f32
    %lt3A_8 = vector.broadcast %lt3A : f32 to vector<125x128xf32>
    %lt3A_9 = arith.cmpf olt, %sqrt3A, %lt3A_8 : vector<125x128xf32>
    %jit3A = arith.constant 0.000000e+00 : f32
    %broadcast_in_dim3A = vector.broadcast %jit3A : f32 to vector<125x128xf32>
    %select_n3A = arith.select %lt3A_9, %sqrt3A, %broadcast_in_dim3A : vector<125x128xi1>, vector<125x128xf32>
    %mul3A_10 = arith.mulf %select_n3A, %select_n3A : vector<125x128xf32>
    %neg3A = arith.constant 0.000000e+00 : f32
    %neg3A_11 = vector.broadcast %neg3A : f32 to vector<125x128xf32>
    %neg3A_12 = arith.subf %neg3A_11, %mul3A_10 : vector<125x128xf32>
    %sub3A = arith.constant 8.000000e+00 : f32
    %sub3A_13 = vector.broadcast %sub3A : f32 to vector<125x128xf32>
    %sub3A_14 = arith.subf %sub3A_13, %select_n3A : vector<125x128xf32>
    %add3A = arith.constant 8.000000e+00 : f32
    %add3A_15 = vector.broadcast %add3A : f32 to vector<125x128xf32>
    %add3A_16 = arith.addf %add3A_15, %select_n3A : vector<125x128xf32>
    %mul3A_17 = arith.mulf %sub3A_14, %add3A_16 : vector<125x128xf32>
    %div3A = arith.divf %neg3A_12, %mul3A_17 : vector<125x128xf32>
    %exp3A = math.exp %div3A : vector<125x128xf32>
    %jit3A_18 = arith.constant 0.000000e+00 : f32
    %broadcast_in_dim3A_19 = vector.broadcast %jit3A_18 : f32 to vector<125x128xf32>
    %select_n3A_20 = arith.select %lt3A_9, %exp3A, %broadcast_in_dim3A_19 : vector<125x128xi1>, vector<125x128xf32>
    %mul3A_21 = arith.constant 5.000000e-01 : f32
    %mul3A_22 = vector.broadcast %mul3A_21 : f32 to vector<125x128xf32>
    %mul3A_23 = arith.mulf %mul3A_22, %select_n3A_20 : vector<125x128xf32>
    %div3A_24 = arith.divf %mul3A_23, %max3A_5 : vector<125x128xf32>
    %mul3A_25 = arith.constant 2.000000e+00 : f32
    %mul3A_26 = vector.broadcast %mul3A_25 : f32 to vector<125x128xf32>
    %mul3A_27 = arith.mulf %mul3A_26, %cos3A : vector<125x128xf32>
    %broadcast_in_dim3A_28 = arith.constant 0.000000e+00 : f32
    %broadcast_in_dim3A_29 = vector.broadcast %broadcast_in_dim3A_28 : f32 to vector<125x128xf32>
    %mul3A_30 = arith.mulf %div3A_24, %sin3A : vector<125x128xf32>
    %mul3A_31 = arith.mulf %mul3A_27, %sin3A : vector<125x128xf32>
    %sub3A_32 = arith.subf %mul3A_31, %broadcast_in_dim3A_29 : vector<125x128xf32>
    %mul3A_33 = arith.mulf %div3A_24, %sub3A_32 : vector<125x128xf32>
    %mul3A_34 = arith.mulf %mul3A_27, %sub3A_32 : vector<125x128xf32>
    %sub3A_35 = arith.subf %mul3A_34, %sin3A : vector<125x128xf32>
    %mul3A_36 = arith.mulf %div3A_24, %sub3A_35 : vector<125x128xf32>
    %mul3A_37 = arith.mulf %mul3A_27, %sub3A_35 : vector<125x128xf32>
    %sub3A_38 = arith.subf %mul3A_37, %sub3A_32 : vector<125x128xf32>
    %mul3A_39 = arith.mulf %div3A_24, %sub3A_38 : vector<125x128xf32>
    %mul3A_40 = arith.mulf %mul3A_27, %sub3A_38 : vector<125x128xf32>
    %sub3A_41 = arith.subf %mul3A_40, %sub3A_35 : vector<125x128xf32>
    %mul3A_42 = arith.mulf %div3A_24, %sub3A_41 : vector<125x128xf32>
    %mul3A_43 = arith.mulf %mul3A_27, %sub3A_41 : vector<125x128xf32>
    %sub3A_44 = arith.subf %mul3A_43, %sub3A_38 : vector<125x128xf32>
    %mul3A_45 = arith.mulf %div3A_24, %sub3A_44 : vector<125x128xf32>
    %mul3A_46 = arith.mulf %mul3A_27, %sub3A_44 : vector<125x128xf32>
    %sub3A_47 = arith.subf %mul3A_46, %sub3A_41 : vector<125x128xf32>
    %mul3A_48 = arith.mulf %div3A_24, %sub3A_47 : vector<125x128xf32>
    %mul3A_49 = arith.mulf %mul3A_27, %sub3A_47 : vector<125x128xf32>
    %sub3A_50 = arith.subf %mul3A_49, %sub3A_44 : vector<125x128xf32>
    %mul3A_51 = arith.mulf %div3A_24, %sub3A_50 : vector<125x128xf32>
    %mul3A_52 = arith.mulf %mul3A_27, %sub3A_50 : vector<125x128xf32>
    %sub3A_53 = arith.subf %mul3A_52, %sub3A_47 : vector<125x128xf32>
    %mul3A_54 = arith.mulf %div3A_24, %sub3A_53 : vector<125x128xf32>
    %mul3A_55 = arith.mulf %mul3A_27, %sub3A_53 : vector<125x128xf32>
    %sub3A_56 = arith.subf %mul3A_55, %sub3A_50 : vector<125x128xf32>
    %mul3A_57 = arith.mulf %div3A_24, %sub3A_56 : vector<125x128xf32>
    %mul3A_58 = arith.mulf %mul3A_27, %sub3A_56 : vector<125x128xf32>
    %sub3A_59 = arith.subf %mul3A_58, %sub3A_53 : vector<125x128xf32>
    %mul3A_60 = arith.mulf %div3A_24, %sub3A_59 : vector<125x128xf32>
    %mul3A_61 = arith.mulf %mul3A_27, %sub3A_59 : vector<125x128xf32>
    %sub3A_62 = arith.subf %mul3A_61, %sub3A_56 : vector<125x128xf32>
    %mul3A_63 = arith.mulf %div3A_24, %sub3A_62 : vector<125x128xf32>
    %mul3A_64 = arith.mulf %mul3A_27, %sub3A_62 : vector<125x128xf32>
    %sub3A_65 = arith.subf %mul3A_64, %sub3A_59 : vector<125x128xf32>
    %mul3A_66 = arith.mulf %div3A_24, %sub3A_65 : vector<125x128xf32>
    %mul3A_67 = arith.mulf %mul3A_27, %sub3A_65 : vector<125x128xf32>
    %sub3A_68 = arith.subf %mul3A_67, %sub3A_62 : vector<125x128xf32>
    %mul3A_69 = arith.mulf %div3A_24, %sub3A_68 : vector<125x128xf32>
    %mul3A_70 = arith.mulf %mul3A_27, %sub3A_68 : vector<125x128xf32>
    %sub3A_71 = arith.subf %mul3A_70, %sub3A_65 : vector<125x128xf32>
    %mul3A_72 = arith.mulf %div3A_24, %sub3A_71 : vector<125x128xf32>
    %mul3A_73 = arith.mulf %mul3A_27, %sub3A_71 : vector<125x128xf32>
    %sub3A_74 = arith.subf %mul3A_73, %sub3A_68 : vector<125x128xf32>
    %mul3A_75 = arith.mulf %div3A_24, %sub3A_74 : vector<125x128xf32>
    %mul3A_76 = arith.mulf %mul3A_27, %sub3A_74 : vector<125x128xf32>
    %sub3A_77 = arith.subf %mul3A_76, %sub3A_71 : vector<125x128xf32>
    %mul3A_78 = arith.mulf %div3A_24, %sub3A_77 : vector<125x128xf32>
    %mul3A_79 = arith.mulf %mul3A_27, %sub3A_77 : vector<125x128xf32>
    %sub3A_80 = arith.subf %mul3A_79, %sub3A_74 : vector<125x128xf32>
    %mul3A_81 = arith.mulf %div3A_24, %sub3A_80 : vector<125x128xf32>
    %mul3A_82 = arith.mulf %mul3A_27, %sub3A_80 : vector<125x128xf32>
    %sub3A_83 = arith.subf %mul3A_82, %sub3A_77 : vector<125x128xf32>
    %mul3A_84 = arith.mulf %div3A_24, %sub3A_83 : vector<125x128xf32>
    %mul3A_85 = arith.mulf %mul3A_27, %sub3A_83 : vector<125x128xf32>
    %sub3A_86 = arith.subf %mul3A_85, %sub3A_80 : vector<125x128xf32>
    %mul3A_87 = arith.mulf %div3A_24, %sub3A_86 : vector<125x128xf32>
    %broadcast_in_dim3A_88 = arith.constant 0.000000e+00 : f32
    %broadcast_in_dim3A_89 = vector.broadcast %broadcast_in_dim3A_88 : f32 to vector<125x128xf32>
    %stack3A = vector.shape_cast %mul3A_30 : vector<125x128xf32> to vector<1x125x128xf32>
    %stack3A_90 = vector.shape_cast %mul3A_33 : vector<125x128xf32> to vector<1x125x128xf32>
    %stack3A_91 = vector.shape_cast %mul3A_36 : vector<125x128xf32> to vector<1x125x128xf32>
    %stack3A_92 = vector.shape_cast %mul3A_39 : vector<125x128xf32> to vector<1x125x128xf32>
    %stack3A_93 = vector.shape_cast %mul3A_42 : vector<125x128xf32> to vector<1x125x128xf32>
    %stack3A_94 = vector.shape_cast %mul3A_45 : vector<125x128xf32> to vector<1x125x128xf32>
    %stack3A_95 = vector.shape_cast %mul3A_48 : vector<125x128xf32> to vector<1x125x128xf32>
    %stack3A_96 = vector.shape_cast %mul3A_51 : vector<125x128xf32> to vector<1x125x128xf32>
    %stack3A_97 = vector.shape_cast %mul3A_54 : vector<125x128xf32> to vector<1x125x128xf32>
    %stack3A_98 = vector.shape_cast %mul3A_57 : vector<125x128xf32> to vector<1x125x128xf32>
    %stack3A_99 = vector.shape_cast %mul3A_60 : vector<125x128xf32> to vector<1x125x128xf32>
    %stack3A_100 = vector.shape_cast %mul3A_63 : vector<125x128xf32> to vector<1x125x128xf32>
    %stack3A_101 = vector.shape_cast %mul3A_66 : vector<125x128xf32> to vector<1x125x128xf32>
    %stack3A_102 = vector.shape_cast %mul3A_69 : vector<125x128xf32> to vector<1x125x128xf32>
    %stack3A_103 = vector.shape_cast %mul3A_72 : vector<125x128xf32> to vector<1x125x128xf32>
    %stack3A_104 = vector.shape_cast %mul3A_75 : vector<125x128xf32> to vector<1x125x128xf32>
    %stack3A_105 = vector.shape_cast %mul3A_78 : vector<125x128xf32> to vector<1x125x128xf32>
    %stack3A_106 = vector.shape_cast %mul3A_81 : vector<125x128xf32> to vector<1x125x128xf32>
    %stack3A_107 = vector.shape_cast %mul3A_84 : vector<125x128xf32> to vector<1x125x128xf32>
    %stack3A_108 = vector.shape_cast %mul3A_87 : vector<125x128xf32> to vector<1x125x128xf32>
    %stack3A_109 = vector.shape_cast %broadcast_in_dim3A_89 : vector<125x128xf32> to vector<1x125x128xf32>
    %stack3A_110 = vector.shape_cast %broadcast_in_dim3A_89 : vector<125x128xf32> to vector<1x125x128xf32>
    %stack3A_111 = vector.shape_cast %broadcast_in_dim3A_89 : vector<125x128xf32> to vector<1x125x128xf32>
    %stack3A_112 = vector.shape_cast %broadcast_in_dim3A_89 : vector<125x128xf32> to vector<1x125x128xf32>
    %stack3A_113 = tpu.concatenate %stack3A, %stack3A_90, %stack3A_91, %stack3A_92, %stack3A_93, %stack3A_94, %stack3A_95, %stack3A_96, %stack3A_97, %stack3A_98, %stack3A_99, %stack3A_100, %stack3A_101, %stack3A_102, %stack3A_103, %stack3A_104, %stack3A_105, %stack3A_106, %stack3A_107, %stack3A_108, %stack3A_109, %stack3A_110, %stack3A_111, %stack3A_112 in 0 : vector<1x125x128xf32>, vector<1x125x128xf32>, vector<1x125x128xf32>, vector<1x125x128xf32>, vector<1x125x128xf32>, vector<1x125x128xf32>, vector<1x125x128xf32>, vector<1x125x128xf32>, vector<1x125x128xf32>, vector<1x125x128xf32>, vector<1x125x128xf32>, vector<1x125x128xf32>, vector<1x125x128xf32>, vector<1x125x128xf32>, vector<1x125x128xf32>, vector<1x125x128xf32>, vector<1x125x128xf32>, vector<1x125x128xf32>, vector<1x125x128xf32>, vector<1x125x128xf32>, vector<1x125x128xf32>, vector<1x125x128xf32>, vector<1x125x128xf32>, vector<1x125x128xf32> -> vector<24x125x128xf32>
    %iota3A = tpu.iota {dimensions = array<i32: 0>} : vector<24x24xi32>
    %iota3A_114 = tpu.iota {dimensions = array<i32: 1>} : vector<24x24xi32>
    %eq3A = arith.cmpi eq, %iota3A, %iota3A_114 : vector<24x24xi32>
    %jit3A_115 = arith.constant 1.000000e+00 : f32
    %jit3A_116 = arith.constant 0.000000e+00 : f32
    %broadcast_in_dim3A_117 = vector.broadcast %jit3A_115 : f32 to vector<24x24xf32>
    %broadcast_in_dim3A_118 = vector.broadcast %jit3A_116 : f32 to vector<24x24xf32>
    %select_n3A_119 = arith.select %eq3A, %broadcast_in_dim3A_117, %broadcast_in_dim3A_118 : vector<24x24xi1>, vector<24x24xf32>
    %dot_general3A = arith.constant dense<0.000000e+00> : vector<125x128x24xf32>
    %dot_general3A_120 = tpu.matmul %stack3A_113, %select_n3A_119, %dot_general3A {dimension_numbers = #tpu.dot_dimension_numbers<[0], [0], [1, 2], [1], [0, 1, 0, 2, 1, 1], [], []>, transpose_lhs_hint = false} : vector<24x125x128xf32>, vector<24x24xf32>, vector<125x128x24xf32> -> vector<125x128x24xf32>
    %slice3A_121 = vector.extract_strided_slice %dot_general3A_120 {offsets = [0, 0, 0], sizes = [125, 128, 20], strides = [1, 1, 1]} : vector<125x128x24xf32> to vector<125x128x20xf32>
    %reshape3A = vector.shape_cast %slice3A_121 : vector<125x128x20xf32> to vector<16000x20xf32>
    %swap3A = arith.constant 0 : index
    %swap3A_122 = arith.constant 0 : index
    %swap3A_123 = vector.load %arg2[%swap3A, %swap3A_122] : memref<16000x20xf32, #tpu.memory_space<vmem>>, vector<16000x20xf32>
    tpu.vector_store %arg2[%swap3A, %swap3A_122], %reshape3A {strides = array<i32>} : memref<16000x20xf32, #tpu.memory_space<vmem>>, vector<16000x20xf32>,
    return
  }
  func.func @transform_0(%arg0: i32) -> (i32, i32, i32) {
    %c0_i32 = arith.constant 0 : i32
    %c0_i32_0 = arith.constant 0 : i32
    %c0_i32_1 = arith.constant 0 : i32
    return %arg0, %c0_i32, %c0_i32_0 : i32, i32, i32
  }
  func.func @transform_1(%arg0: i32) -> (i32, i32) {
    %c0_i32 = arith.constant 0 : i32
    %c0_i32_0 = arith.constant 0 : i32
    return %arg0, %c0_i32 : i32, i32
  }
}

</mosaic_0001>

<sc_bundles>
// kernel: kernel.6.cloned.1.call-start
scs
__scs_entry_jumppad:
0x0: {  	(pc) =	sbr.rel $0x88, $3  }
0x1: {  	(tag) =	ssettag $0x0;
	lr =	simm.s32 $0x1  }
0x2: {  	[smem:$0x3F9B] =	sst lr;
	_ =	strace $0xD0000000  }
0x3: {  	_ = 	snop  }
0x4: {  	_ = 	snop  }
0x5: {  	_ = 	snop  }
0x6: {  	_ = 	snop  }
0x7: {  	_ = 	snop  }
__scs_overlays_trampoline_lowered:
0x8: {  	[smem:$0x3FAA] =	sst s0  }
0x9: {  	[smem:$0x3FAB] =	sst s1  }
0xa: {  	[smem:$0x3FAC] =	sst s2  }
0xb: {  	[smem:$0x3FAD] =	sst s3  }
0xc: {  	[smem:$0x3FAE] =	sst s4  }
0xd: {  	[smem:$0x3FAF] =	sst s5  }
0xe: {  	[smem:$0x3FB0] =	sst s6  }
0xf: {  	[smem:$0x3FB1] =	sst s7  }
0x10: {  	[smem:$0x3FB2] =	sst s8  }
0x11: {  	[smem:$0x3FB3] =	sst s9;
	s0 =	simm.s32 @!p0 $0x0  }
0x12: {  	s1 =	sld [smem:$0x3F99];
	s0 =	simm.s32 @p0 $0x1  }
0x13: {  	[smem:$0x3FB4] =	sst s0;
	s0 =	simm.s32 @!p1 $0x0  }
0x14: {  	s2 =	sld [smem:$0x3F98];
	s0 =	simm.s32 @p1 $0x1  }
0x15: {  	[smem:$0x3FB5] =	sst s0;
	s0 =	simm.s32 @!p2 $0x0  }
0x16: {  	s3 =	sld [smem:$0x3FDB];
	s0 =	simm.s32 @p2 $0x1  }
0x17: {  	s4 =	simm.s32 $0x1BF5;
	[smem:$0x3FB7] =	sst s0  }
0x18: {  	s0 =	sld [smem:$0x3F9A];
	_ =	swait.ge [sflag:s4], $0x0  }
0x19: {  	s7 =	sld [smem:$0x3F9B]  }
0x1a: {  	s8 =	sadd.s32 $0xFFFFE003, lr  }
0x1b: {  	s9 =	sadd.s32 $0xFFFFFEF7, lr;
	s5 =	simm.s32 $0xFFFFFFFF;
	p2 =	slt.u32 s8, $0xFFFFF086  }
0x1c: {  	p1 =	slt.u32 s9, $0xF7A;
	s5 =	simm.s32 @!p2 $0x0  }
0x1d: {  	s5 =	simm.s32 @p1 $0x1;
	p0 =	seq.s32 s7, s2  }
0x1e: {  	s7 =	smul.u32 @!p0 $0xF7A, s2;
	p2 =	seq.s32 @!p0 s5, $0x0  }
0x1f: {  	s9 =	smul.u32 $0xF7A, s1;
	s8 =	simm.s32 @!p0 $0x1BF5;
	p2 =	por !p2, p0  }
0x20: {  	[sflag:s8] =	ssyncset.s32 @!p0 $0xFFFFF086;
	s6 =	sadd.s32 @!p0 s3, s7;
	s7 =	simm.s32 @!p0 $0x108  }
0x21: {  	s3 =	sadd.s32 s3, s9;
	s6 =	sadd.s32 @!p0 $0x88, s6;
	s7 =	simm.s32 @p2 $0x1082  }
0x22: {  	[simem:s7], [sflag:s8] =	dma.local @!p0 [hbm:s6], $0xF7A  }
0x23: {  	s9 =	sor.u32 $0xD0000000, s2;
	s6 =	simm.s32 $0x108;
	_ =	swait.ge @!p0 [sflag:s8], $0x0  }
0x24: {  	s3 =	sadd.s32 $0x88, s3;
	s6 =	simm.s32 @!p1 $0x1082;
	[sflag:s4] =	ssyncset.s32 $0xFFFFF086  }
0x25: {  	[simem:s6], [sflag:s4] =	dma.local [hbm:s3], $0xF7A  }
0x26: {  	[smem:$0x3F9B] =	sst s1;
	(tag) =	ssettag s2;
	_ =	strace s9  }
0x27: {  	s1 =	sld [smem:$0x3FAB]  }
0x28: {  	s2 =	sld [smem:$0x3FAC]  }
0x29: {  	s4 =	sld [smem:$0x3FAE]  }
0x2a: {  	p0 =	seq.s32 s5, $0x0;
	s5 =	sld [smem:$0x3FAF]  }
0x2b: {  	s6 =	sld [smem:$0x3FB0]  }
0x2c: {  	s7 =	sld [smem:$0x3FB1]  }
0x2d: {  	s3 =	simm.s32 $0x108;
	s8 =	sld [smem:$0x3FB2]  }
0x2e: {  	s3 =	simm.s32 @!p0 $0x1082;
	s9 =	sld [smem:$0x3FB3]  }
0x2f: {  	lr =	sadd.s32 s0, s3;
	s0 =	sld [smem:$0x3FAA]  }
0x30: {  	s3 =	sld [smem:$0x3FAD]  }
0x31: {  	[smem:$0x3FB6] =	sst s10  }
0x32: {  	s10 =	sld [smem:$0x3FB4];
	_ =	sdelay $0x3  }
0x33: {  	p0 =	seq.s32 s10, $0x1;
	s10 =	sld [smem:$0x3FB6];
	_ =	sdelay $0x3  }
0x34: {  	[smem:$0x3FB6] =	sst s10  }
0x35: {  	s10 =	sld [smem:$0x3FB5];
	_ =	sdelay $0x3  }
0x36: {  	p1 =	seq.s32 s10, $0x1;
	s10 =	sld [smem:$0x3FB6];
	_ =	sdelay $0x3  }
0x37: {  	[smem:$0x3FB6] =	sst s10  }
0x38: {  	s10 =	sld [smem:$0x3FB7]  }
0x39: {  	_ = 	snop;
	(pc) =	sbr.ind lr, $3  }
0x3a: {  	_ = 	snop  }
0x3b: {  	_ = 	snop  }
0x3c: {  	p2 =	seq.s32 s10, $0x1;
	s10 =	sld [smem:$0x3FB6]  }
0x3d: {  	_ =	shalt  }
0x3e: {  	_ =	shalt  }
0x3f: {  	_ =	shalt  }
0x40: {  	_ =	shalt  }
0x41: {  	_ =	shalt  }
0x42: {  	_ =	shalt  }
0x43: {  	_ =	shalt  }
0x44: {  	_ =	shalt  }
0x45: {  	_ =	shalt  }
0x46: {  	_ =	shalt  }
0x47: {  	_ =	shalt  }
0x48: {  	_ =	shalt  }
0x49: {  	_ =	shalt  }
0x4a: {  	_ =	shalt  }
0x4b: {  	_ =	shalt  }
0x4c: {  	_ =	shalt  }
0x4d: {  	_ =	shalt  }
0x4e: {  	_ =	shalt  }
0x4f: {  	_ =	shalt  }
0x50: {  	_ =	shalt  }
0x51: {  	_ =	shalt  }
0x52: {  	_ =	shalt  }
0x53: {  	_ =	shalt  }
0x54: {  	_ =	shalt  }
0x55: {  	_ =	shalt  }
0x56: {  	_ =	shalt  }
0x57: {  	_ =	shalt  }
0x58: {  	_ =	shalt  }
0x59: {  	_ =	shalt  }
0x5a: {  	_ =	shalt  }
0x5b: {  	_ =	shalt  }
0x5c: {  	_ =	shalt  }
0x5d: {  	_ =	shalt  }
0x5e: {  	_ =	shalt  }
0x5f: {  	_ =	shalt  }
0x60: {  	_ =	shalt  }
0x61: {  	_ =	shalt  }
0x62: {  	_ =	shalt  }
0x63: {  	_ =	shalt  }
0x64: {  	_ =	shalt  }
0x65: {  	_ =	shalt  }
0x66: {  	_ =	shalt  }
0x67: {  	_ =	shalt  }
0x68: {  	_ =	shalt  }
0x69: {  	_ =	shalt  }
0x6a: {  	_ =	shalt  }
0x6b: {  	_ =	shalt  }
0x6c: {  	_ =	shalt  }
0x6d: {  	_ =	shalt  }
0x6e: {  	_ =	shalt  }
0x6f: {  	_ =	shalt  }
0x70: {  	_ =	shalt  }
0x71: {  	_ =	shalt  }
0x72: {  	_ =	shalt  }
0x73: {  	_ =	shalt  }
0x74: {  	_ =	shalt  }
0x75: {  	_ =	shalt  }
0x76: {  	_ =	shalt  }
0x77: {  	_ =	shalt  }
0x78: {  	_ =	shalt  }
0x79: {  	_ =	shalt  }
0x7a: {  	_ =	shalt  }
0x7b: {  	_ =	shalt  }
0x7c: {  	_ =	shalt  }
0x7d: {  	_ =	shalt  }
0x7e: {  	_ =	shalt  }
0x7f: {  	_ =	shalt  }
0x80: {  	_ =	shalt  }
0x81: {  	_ =	shalt  }
0x82: {  	_ =	shalt  }
0x83: {  	_ =	shalt  }
0x84: {  	_ =	shalt  }
0x85: {  	_ =	shalt  }
0x86: {  	_ =	shalt  }
0x87: {  	_ =	shalt  }
.Lfunc_end0:
.L_simem_size_0:
called_computation_lowered:
.L_overlay_start_0:
0x88: {  	s2 =	sld [smem:$0x3FD9]  }
0x89: {  	s3 =	sld [smem:$0x3FFE];
	_ =	sdelay $0x1  }
0x8a: {  	s1 =	srdreg.scid  }
0x8b: {  	s0 =	sand.u32 $0x1, s1  }
0x8c: {  	s14 =	sshll.u32 s0, $0xA;
	s2 =	sadd.s32 s3, s2  }
0x8d: {  	s2 =	sadd.s32 s2, s14  }
0x8e: {  	[smem:$0x3FC2] =	sst s2  }
0x8f: {  	_ = 	snop  }
0x90: {  	s2 =	sld [smem:$0x3FD0];
	_ =	sdelay $0x2  }
0x91: {  	s15 =	simm.s32 $0xA;
	s4 =	simm.s32 $0x10  }
0x92: {  	[smem:s4], [sflag:s15] =	dma.local [hbm:s2], $0x1  }
0x93: {  	_ =	swait.eq [sflag:s15], $0x1  }
0x94: {  	[sflag:s15] =	ssyncset.done $0x0  }
0x95: {  	s16 =	sld [smem:$0x11];
	[sflag:s15] =	ssyncadd.s32 $0xFFFFFFFF  }
0x96: {  	s17 =	sld [smem:$0x12];
	(tm) =	ssettm $0x1  }
0x97: {  	s18 =	sld [smem:$0x3FFB];
	_ =	sdelay $0x3  }
0x98: {  	_ =	strace s18  }
0x99: {  	s4 =	sld [smem:$0x3FFC];
	_ =	sdelay $0x3  }
0x9a: {  	_ =	strace s4  }
0x9b: {  	s4 =	sld [smem:$0x3FFD];
	_ =	sdelay $0x3  }
0x9c: {  	_ =	strace s4  }
0x9d: {  	_ =	strace $0x8FFFFFFF  }
0x9e: {  	s19 =	sld [smem:$0x3FDB];
	_ =	sdelay $0x1  }
0x9f: {  	s5 =	simm.s32 $_scs_section_size  }
0xa0: {  	s6 =	simm.s32 $_size__tile_overlayer_lowered;
	s7 =	simm.s32 $_tile_overlayer_lowered  }
0xa1: {  	s22 =	simm.s32 $0x1BFF;
	s21 =	sshll.u32 s7, $0x1;
	s4 =	sadd.s32 s5, s19  }
0xa2: {  	s8 =	simm.s32 $0x0;
	s20 =	sshll.u32 s6, $0x1;
	s6 =	sadd.s32 s21, s4  }
0xa3: {  	[timem:s8], [sflag:s22] =	dma.local [hbm:s6], s20  }
0xa4: {  	_ =	swait.ge [sflag:s22], s20  }
0xa5: {  	s5 =	ssub.s32 $0x0, s20;
	[sflag:s22] =	ssyncset.done $0x0  }
0xa6: {  	[sflag:s22] =	ssyncadd.s32 s5;
	_ =	sdelay $0x1  }
0xa7: {  	s23 =	simm.s32 $0x1B8B  }
0xa8: {  	_ =	swait.ge [sflag:s23], $0x1  }
0xa9: {  	[sflag:s23] =	ssyncset.done $0x0  }
0xaa: {  	s25 =	simm.s32 $0x1B8E;
	s24 =	sld [smem:$0x3FFE];
	[sflag:s23] =	ssyncadd.s32 $0xFFFFFFFF  }
0xab: {  	s26 =	simm.s32 $execute0_lowered;
	[smem:$0x3FD2] =	sst s25  }
0xac: {  	s6 =	sshll.u32 s26, $0x1;
	_ =	strace $0x80000046;
	[dreg:$0x1] =	wrdreg $0xFFFFFFFF  }
0xad: {  	s28 =	simm.s32 $_size_execute0_lowered;
	s4 =	sadd.s32 s4, s6;
	[dreg:$0x0] =	wrdreg $0x0  }
0xae: {  	s6 =	sshll.u32 s28, $0x1;
	[dreg:$0x2] =	wrdreg s4  }
0xaf: {  	[dreg:$0x3] =	wrdreg s6  }
0xb0: {  	[dreg:$0x4] =	wrdreg $0xC0  }
0xb1: {  	_ =	task [dreg:s8], $0x5FFFF  }
0xb2: {  	[dreg:$0x1] =	wrdreg $0xFFFFFFFF  }
0xb3: {  	[dreg:$0x0] =	wrdreg $0x60  }
0xb4: {  	[dreg:$0x2] =	wrdreg s24  }
0xb5: {  	[dreg:$0x3] =	wrdreg s17  }
0xb6: {  	[dreg:$0x4] =	wrdreg s16  }
0xb7: {  	[dreg:$0x5] =	wrdreg $0x80000  }
0xb8: {  	[dreg:$0x6] =	wrdreg $0x9  }
0xb9: {  	_ =	task.clear_ibuf [dreg:s8], $0x7FFFF;
	_ =	strace $0x90000046  }
0xba: {  	s29 =	simm.s32 $0x9;
	_ =	strace $0x80000048  }
0xbb: {  	_ =	swait.ge [sflag:s29], $0x1  }
0xbc: {  	[sflag:s29] =	ssyncadd.s32 $0xFFFFFFFF  }
0xbd: {  	_ =	strace $0x90000048  }
0xbe: {  	_ =	sfence  }
0xbf: {  	s30 =	sld [smem:$0x0];
	_ =	sdelay $0x2  }
0xc0: {  	s31 =	sshll.u32 s1, $0xD;
	s1 =	sshrl.u32 s1, $0x2  }
0xc1: {  	s3 =	sand.u32 $0x4000, s31;
	s1 =	sadd.s32 s1, s30  }
0xc2: {  	s0 =	sor.u32 s3, s0;
	s1 =	sshll.u32 s1, $0x11  }
0xc3: {  	s0 =	sor.u32 s1, s0  }
0xc4: {  	s0 =	sadd.s32 $0x8F2B, s0  }
0xc5: {  	[sflag:s0] =	ssyncadd.remote.s32 $0x1  }
0xc6: {  	_ =	sfence.sel $0xFFFF  }
0xc7: {  	[dreg:$0x0] =	wrdreg $0xFFFFFFFF;
	(pc) =	sbr.abs _section_cstart, $3  }
0xc8: {  	[dreg:$0x1] =	wrdreg $0xFFFFFFFF  }
0xc9: {  	_ =	task.clear_ibuf [dreg:s8], $0x2FFFF;
	_ =	strace $0x9FFFFFFF  }
0xca: {  	(tm) =	ssettm $0x7FFFFFFF  }
0xcb: {  	_ =	shalt  }
tec
execute0_lowered:
.L_overlay_start_1:
0x0: {  	(tag) =	ssettag $0x1  }
0x1: {  	s0 =	rddreg [dreg:$0x0]  }
0x2: {  	s3 =	rddreg [dreg:$0x3];
	s4 =	simm.s32 $0x0  }
0x3: {  	s1 =	srdreg.scid;
	s2 =	stileid.u32;
	s11 =	simm.s32 $0x3  }
0x4: {  	s13 =	simm.s32 $0x7D0;
	s19 =	simm.s32 $0x5000;
	s20 =	simm.s32 $0x2800  }
0x5: {  	s21 =	simm.s32 $0x5800;
	s22 =	simm.s32 $0x3000;
	s23 =	simm.s32 $0x6000  }
0x6: {  	s24 =	simm.s32 $0x3800;
	s25 =	simm.s32 $0x6800;
	s26 =	simm.s32 $0x1  }
0x7: {  	s28 =	simm.s32 $0x2;
	s29 =	simm.s32 $0x7000;
	s1 =	sand.u32 $0x1, s1  }
0x8: {  	s30 =	simm.s32 $0x7800;
	[smem:$0x7FF] =	sst s4;
	s8 =	ssub.s32 $0x2, s1  }
0x9: {  	s5 =	sadd.s32 $0x1C00, s0;
	s6 =	sadd.s32 $0x32A00, s0;
	s9 =	sshrl.u32 s8, $0x1  }
0xa: {  	s10 =	sshll.u32 s2, $0x1;
	s7 =	sadd.s32 $0x63800, s0;
	s31 =	ssub.s32 s8, s9  }
0xb: {  	p0 =	sne.s32 s2, $0x0;
	_ =	strace $0x80000047;
	s0 =	smax.u32 s31, $0x1  }
0xc: {  	s1 =	sor.u32 s1, s10;
	[dreg:$0x5] =	wrdreg s0;
	s0 =	sshrl.u32 @!p0 s3, $0x3  }
0xd: {  	s8 =	smul.u32 $0xC350, s1;
	s1 =	simm.s32 $0x0;
	[dreg:$0x6] =	wrdreg s0  }
.LBB2_1:
0xe: {  	[dreg:$0x7] =	wrdreg s1  }
0xf: {  	s1 =	rddreg [dreg:$0x1]  }
0x10: {  	s0 =	simm.s32 @!p0 $0x1C03;
	s2 =	rddreg [dreg:$0x6]  }
0x11: {  	[spmem:s2], [sflag:s0] =	dma.local @!p0 [hbm:s1], $0x9280  }
0x12: {  	s0 =	simm.s32 @!p0 $0x3  }
0x13: {  	_ =	swait.ge @!p0 [sflag:s0], $0x9280  }
0x14: {  	[sflag:s0] =	ssyncset.done @!p0 $0x0  }
0x15: {  	[sflag:s0] =	ssyncadd.s32 @!p0 $0xFFFF6D80  }
0x16: {  	s0 =	simm.s32 $0x0;
	[bflag:$0x0] =	sbarrier.arrive $0xFFFF  }
.LBB2_2:
0x17: {  	s1 =	smul.u32 $0x7D0, s0;
	_ =	sdelay $0x1  }
0x18: {  	s9 =	sadd.s32 s8, s1  }
0x19: {  	s1 =	sshrl.u32 s9, $0x3  }
0x1a: {  	s10 =	simm.s32 $0x0;
	s2 =	sadd.s32 s5, s1  }
0x1b: {  	[tilespmem:s10], [sflag:$0x3] =	stream.linear.gather [hbm4b:s2+s10], $0x7D0, $0x38;
	[tilespmem:$0xC940] =	vst v63  }
0x1c: {  	_ =	swait.ge [sflag:s11], $0x7D0  }
0x1d: {  	[sflag:s11] =	ssyncset.done $0x0  }
0x1e: {  	s12 =	simm.s32 $0x800;
	s31 =	sadd.s32 s6, s1;
	[sflag:s11] =	ssyncadd.s32 $0xFFFFF830  }
0x1f: {  	[tilespmem:s12], [sflag:$0x3] =	stream.linear.gather [hbm4b:s31+s10], $0x7D0, $0x38;
	[tilespmem:$0xC940] =	vst v63  }
0x20: {  	_ =	swait.ge [sflag:s11], $0x7D0  }
0x21: {  	[sflag:s11] =	ssyncset.done $0x0  }
0x22: {  	s10 =	simm.s32 $0x0;
	[sflag:s11] =	ssyncadd.s32 $0xFFFFF830  }
0x23: {  	v0 =	vld [tilespmem:s10+$0x800]  }
0x24: {  	v2 =	vld [tilespmem:s10+$0x0];
	_ =	sdelay $0x3  }
0x25: {  	s2 =	simm.s32 $0x10;
	v3 =	vmul.u32 $0x3, v0  }
0x26: {  	v1 =	vld [tilespmem:s2+$0x800];
	v0 =	vmul.u32 $0x3, v2  }
0x27: {  	v2 =	vld [tilespmem:s2+$0x0];
	[tilespmem:s10+$0x2800] =	vst v3;
	v4 =	vadd.s32 $0x2, v3  }
0x28: {  	v5 =	vadd.s32 $0x1, v0;
	[tilespmem:s10+$0x3800] =	vst v4  }
0x29: {  	v4 =	vadd.s32 $0x2, v0;
	[tilespmem:s10+$0x1800] =	vst v5  }
0x2a: {  	s12 =	simm.s32 $0x80;
	v3 =	vadd.s32 $0x1, v3;
	[tilespmem:s10+$0x2000] =	vst v4  }
.LBB2_3:
0x2b: {  	s14 =	sshra.s32 s12, $0x2;
	p1 =	sne.s32 s12, $0x1F00;
	s12 =	sadd.s32 $0x40, s12;
	v4 =	vmul.u32 $0x3, v1;
	[tilespmem:s10+$0x3000] =	vst v3  }
.Ltmp0:
0x2c: {  	v1 =	vld [tilespmem:s14+$0x800];
	[tilespmem:s10+$0x1000] =	vst v0;
	v0 =	vmul.u32 $0x3, v2;
	s10 =	smov.u32 s2;
	s2 =	smov.u32 s14;
	(pc) =	sbr.rel @p1 .LBB2_3-.Ltmp0, $4  }
0x2d: {  	v2 =	vld [tilespmem:s2+$0x0];
	[tilespmem:s10+$0x2800] =	vst v4;
	v3 =	vadd.s32 $0x1, v4;
	v4 =	vadd.s32 $0x2, v4  }
0x2e: {  	v5 =	vadd.s32 $0x1, v0;
	v6 =	vadd.s32 $0x2, v0;
	[tilespmem:s10+$0x3800] =	vst v4  }
0x2f: {  	[tilespmem:s10+$0x1800] =	vst v5  }
0x30: {  	[tilespmem:s10+$0x2000] =	vst v6  }
0x31: {  	v1 =	vmul.u32 $0x3, v1;
	[tilespmem:s10+$0x3000] =	vst v3  }
0x32: {  	[tilespmem:s10+$0x1000] =	vst v0  }
0x33: {  	[tilespmem:s2+$0x2800] =	vst v1;
	v0 =	vadd.s32 $0x2, v1  }
0x34: {  	v2 =	vmul.u32 $0x3, v2;
	v1 =	vadd.s32 $0x1, v1;
	[tilespmem:s2+$0x3800] =	vst v0  }
0x35: {  	[tilespmem:s2+$0x3000] =	vst v1  }
0x36: {  	v3 =	vadd.s32 $0x1, v2;
	[tilespmem:s2+$0x1000] =	vst v2  }
0x37: {  	v0 =	vadd.s32 $0x2, v2;
	[tilespmem:s2+$0x1800] =	vst v3  }
0x38: {  	s14 =	simm.s32 $0x1000;
	s15 =	simm.s32 $0x4000;
	[tilespmem:s2+$0x2000] =	vst v0  }
0x39: {  	[tilespmem:s15], [sflag:$0x1] =	stream.indirect.gather [spmem:s3], $0x1, s14, s13, $0xb8;
	[tilespmem:$0xC940] =	vst v63  }
0x3a: {  	s16 =	simm.s32 $0x1800;
	s17 =	simm.s32 $0x4800  }
0x3b: {  	[tilespmem:s17], [sflag:$0x1] =	stream.indirect.gather [spmem:s3], $0x1, s16, s13, $0xb8;
	[tilespmem:$0xC940] =	vst v63  }
0x3c: {  	s18 =	simm.s32 $0x2000  }
0x3d: {  	[tilespmem:s19], [sflag:$0x1] =	stream.indirect.gather [spmem:s3], $0x1, s18, s13, $0xb8;
	[tilespmem:$0xC940] =	vst v63  }
0x3e: {  	_ = 	snop  }
0x3f: {  	[tilespmem:s21], [sflag:$0x2] =	stream.indirect.gather [spmem:s3], $0x1, s20, s13, $0xb8;
	[tilespmem:$0xC940] =	vst v63  }
0x40: {  	_ = 	snop  }
0x41: {  	[tilespmem:s23], [sflag:$0x2] =	stream.indirect.gather [spmem:s3], $0x1, s22, s13, $0xb8;
	[tilespmem:$0xC940] =	vst v63  }
0x42: {  	_ = 	snop  }
0x43: {  	[tilespmem:s25], [sflag:$0x2] =	stream.indirect.gather [spmem:s3], $0x1, s24, s13, $0xb8;
	[tilespmem:$0xC940] =	vst v63  }
0x44: {  	_ =	swait.ge [sflag:s26], $0x7D0  }
0x45: {  	[sflag:s26] =	ssyncset.done $0x0  }
0x46: {  	[sflag:s26] =	ssyncadd.s32 $0xFFFFF830  }
0x47: {  	_ =	swait.ge [sflag:s26], $0x7D0  }
0x48: {  	[sflag:s26] =	ssyncset.done $0x0  }
0x49: {  	[sflag:s26] =	ssyncadd.s32 $0xFFFFF830  }
0x4a: {  	_ =	swait.ge [sflag:s26], $0x7D0  }
0x4b: {  	[sflag:s26] =	ssyncset.done $0x0  }
0x4c: {  	[sflag:s26] =	ssyncadd.s32 $0xFFFFF830  }
0x4d: {  	_ =	swait.ge [sflag:s28], $0x7D0  }
0x4e: {  	[sflag:s28] =	ssyncset.done $0x0  }
0x4f: {  	[sflag:s28] =	ssyncadd.s32 $0xFFFFF830  }
0x50: {  	_ =	swait.ge [sflag:s28], $0x7D0  }
0x51: {  	[sflag:s28] =	ssyncset.done $0x0  }
0x52: {  	[sflag:s28] =	ssyncadd.s32 $0xFFFFF830  }
0x53: {  	_ =	swait.ge [sflag:s28], $0x7D0  }
0x54: {  	[sflag:s28] =	ssyncset.done $0x0  }
0x55: {  	s31 =	simm.s32 $0x0;
	[sflag:s28] =	ssyncadd.s32 $0xFFFFF830  }
0x56: {  	v0 =	vld [tilespmem:s31+$0x4000]  }
0x57: {  	v1 =	vld [tilespmem:s31+$0x5800]  }
0x58: {  	v2 =	vld [tilespmem:s31+$0x4800]  }
0x59: {  	v3 =	vld [tilespmem:s31+$0x6000]  }
0x5a: {  	v4 =	vld [tilespmem:s31+$0x5000]  }
0x5b: {  	s10 =	simm.s32 $0x10;
	v5 =	vld [tilespmem:s31+$0x6800]  }
0x5c: {  	v6 =	vld [tilespmem:s10+$0x4000]  }
0x5d: {  	v7 =	vld [tilespmem:s10+$0x5800]  }
0x5e: {  	v8 =	vld [tilespmem:s10+$0x4800];
	v0 =	vsub.f32 v0, v1;
	v1 =	vsub.f32 v2, v3  }
0x5f: {  	s2 =	simm.s32 $0x20;
	v9 =	vld [tilespmem:s10+$0x6000]  }
0x60: {  	v10 =	vld [tilespmem:s2+$0x5800];
	v4 =	vsub.f32 v4, v5;
	v0 =	vmul.f32 v0, v0;
	v1 =	vmul.f32 v1, v1  }
0x61: {  	v2 =	vld [tilespmem:s10+$0x5000]  }
0x62: {  	v3 =	vld [tilespmem:s10+$0x6800];
	v0 =	vadd.f32 v1, v0;
	v1 =	vmul.f32 v4, v4  }
0x63: {  	v11 =	vld [tilespmem:s2+$0x6000]  }
0x64: {  	v12 =	vld [tilespmem:s2+$0x5000];
	v0 =	vadd.f32 v1, v0  }
0x65: {  	v5 =	vld [tilespmem:s2+$0x4000];
	v1 =	vsub.f32 v6, v7;
	v6 =	vsub.f32 v8, v9  }
0x66: {  	v4 =	vld [tilespmem:s2+$0x4800]  }
0x67: {  	s12 =	simm.s32 $0x30;
	v2 =	vsub.f32 v2, v3;
	v7 =	vld [tilespmem:s2+$0x6800];
	[tilespmem:s31+$0x7000] =	vst v0;
	v1 =	vmul.f32 v1, v1;
	v3 =	vmul.f32 v6, v6  }
0x68: {  	v6 =	vld [tilespmem:s12+$0x4000]  }
0x69: {  	v2 =	vmul.f32 v2, v2;
	v13 =	vsub.f32 $6.400000000e+01, v0;
	v8 =	vld [tilespmem:s12+$0x5800];
	v1 =	vadd.f32 v3, v1  }
0x6a: {  	v9 =	vld [tilespmem:s12+$0x6000]  }
0x6b: {  	v3 =	vld [tilespmem:s12+$0x4800];
	(erf) = vrcp.f32 v13;
	v1 =	vadd.f32 v2, v1  }
0x6c: {  	v14 =	vld [tilespmem:s12+$0x5000];
	v4 =	vsub.f32 v4, v11  }
0x6d: {  	v2 =	vsub.f32 v5, v10;
	v5 =	vld [tilespmem:s12+$0x6800];
	v11 =	vsub.f32 $6.400000000e+01, v1  }
0x6e: {  	s14 =	simm.s32 $0x40;
	v4 =	vmul.f32 v4, v4;
	[tilespmem:s10+$0x7000] =	vst v1  }
0x6f: {  	v7 =	vsub.f32 v12, v7;
	v2 =	vmul.f32 v2, v2;
	v10 =	vld [tilespmem:s14+$0x4000];
	(erf) = vrcp.f32 v11  }
0x70: {  	v6 =	vsub.f32 v6, v8;
	v12 =	vld [tilespmem:s14+$0x5800];
	v3 =	vsub.f32 v3, v9  }
0x71: {  	v8 =	vld [tilespmem:s14+$0x6800];
	v2 =	vadd.f32 v4, v2;
	v4 =	vmul.f32 v7, v7  }
0x72: {  	v7 =	vld [tilespmem:s14+$0x4800];
	v6 =	vmul.f32 v6, v6;
	v5 =	vsub.f32 v14, v5;
	v3 =	vmul.f32 v3, v3  }
0x73: {  	v11 =	vld [tilespmem:s14+$0x6000];
	v14 =	vsub.f32 $0.0e+00, v0;
	v2 =	vadd.f32 v4, v2  }
0x74: {  	v4 =	vld [tilespmem:s14+$0x5000];
	v16 =	vpop (erf);
	v3 =	vadd.f32 v3, v6;
	v5 =	vmul.f32 v5, v5  }
0x75: {  	s15 =	simm.s32 $0x50;
	[tilespmem:s2+$0x7000] =	vst v2;
	v9 =	vsub.f32 $6.400000000e+01, v2;
	v6 =	vmul.f32 v16, v14  }
0x76: {  	v13 =	vld [tilespmem:s15+$0x4000];
	v3 =	vadd.f32 v5, v3  }
0x77: {  	v15 =	vld [tilespmem:s15+$0x5800];
	v5 =	vsub.f32 $0.0e+00, v1;
	(erf) = vrcp.f32 v9;
	v6 =	vmul.f32 $1.442695020e+00, v6  }
0x78: {  	v10 =	vsub.f32 v10, v12;
	v7 =	vsub.f32 v7, v11;
	v11 =	vld [tilespmem:s15+$0x6000];
	v14 =	vpop (erf)  }
0x79: {  	v9 =	vld [tilespmem:s15+$0x4800];
	v4 =	vsub.f32 v4, v8;
	(erf) = vpow2.f32 v6;
	v8 =	vmul.f32 v14, v5  }
0x7a: {  	v12 =	vld [tilespmem:s15+$0x5000];
	v10 =	vmul.f32 v10, v10;
	v14 =	vsub.f32 $6.400000000e+01, v3  }
0x7b: {  	s16 =	simm.s32 $0x60;
	v63 =	vld [tilespmem:s15+$0x6800];
	v7 =	vmul.f32 v7, v7;
	[tilespmem:s12+$0x7000] =	vst v3;
	v8 =	vmul.f32 $1.442695020e+00, v8  }
0x7c: {  	v5 =	vld [tilespmem:s16+$0x4000];
	v13 =	vsub.f32 v13, v15;
	(erf) = vrcp.f32 v14  }
0x7d: {  	v6 =	vld [tilespmem:s16+$0x5800];
	v10 =	vadd.f32 v7, v10;
	v4 =	vmul.f32 v4, v4;
	(erf) = vpow2.f32 v8  }
0x7e: {  	v7 =	vld [tilespmem:s16+$0x4800];
	v14 =	vsub.f32 v9, v11  }
0x7f: {  	v4 =	vadd.f32 v4, v10;
	v10 =	vsub.f32 $0.0e+00, v2;
	v9 =	vld [tilespmem:s16+$0x6000]  }
0x80: {  	s17 =	simm.s32 $0x1C0;
	v11 =	vsub.f32 v12, v63;
	v12 =	vmul.f32 v13, v13;
	v8 =	vld [tilespmem:s16+$0x5000];
	v14 =	vmul.f32 v14, v14;
	v13 =	vpop (erf)  }
.LBB2_5:
0x81: {  	s18 =	sshra.s32 s17, $0x2;
	v15 =	vld [tilespmem:s16+$0x6800];
	[tilespmem:s14+$0x7000] =	vst v4;
	v17 =	vsub.f32 $6.400000000e+01, v4;
	v10 =	vmul.f32 v13, v10;
	v13 =	vmov v5;
	p1 =	sne.s32 s17, $0x1F00  }
.Ltmp1:
0x82: {  	vm0 =	vlt.f32 v0, $6.400000000e+01;
	v5 =	vld [tilespmem:s18+$0x4000];
	v12 =	vadd.f32 v14, v12;
	v11 =	vmul.f32 v11, v11;
	v0 =	vpop (erf);
	(pc) =	sbr.rel @p1 .LBB2_5-.Ltmp1, $4  }
0x83: {  	v16 =	vmovc v6;
	(erf) = vrcp.f32 v17;
	v14 =	vmul.f32 $1.442695020e+00, v10;
	v10 =	vnsel vm0, $0x0, v0;
	v6 =	vld [tilespmem:s18+$0x5800];
	v0 =	vmovc v1  }
0x84: {  	v17 =	vsub.f32 v13, v16;
	v1 =	vmovc v2;
	v2 =	vmov v3;
	v16 =	vsub.f32 v7, v9;
	v7 =	vld [tilespmem:s18+$0x4800];
	[tilespmem:s31+$0x7800] =	vst v10;
	s31 =	smov.u32 s10;
	s10 =	smov.u32 s2;
	s2 =	smov.u32 s12  }
0x85: {  	s17 =	sadd.s32 $0x40, s17;
	v3 =	vmovc v4;
	v10 =	vsub.f32 $0.0e+00, v2;
	v4 =	vadd.f32 v11, v12;
	s12 =	smov.u32 s14;
	v9 =	vld [tilespmem:s18+$0x6000];
	(erf) = vpow2.f32 v14  }
0x86: {  	s14 =	smov.u32 s15;
	s15 =	smov.u32 s16;
	s16 =	smov.u32 s18;
	v12 =	vmul.f32 v17, v17;
	v11 =	vsub.f32 v8, v15;
	v8 =	vld [tilespmem:s18+$0x5000];
	v14 =	vmul.f32 v16, v16;
	v13 =	vpop (erf)  }
0x87: {  	v15 =	vld [tilespmem:s16+$0x6800];
	_ =	sdelay $0x2  }
0x88: {  	v5 =	vsub.f32 v5, v6;
	v33 =	vsub.f32 v7, v9  }
0x89: {  	v34 =	vadd.f32 v14, v12;
	v35 =	vmul.f32 v11, v11  }
0x8a: {  	v5 =	vmul.f32 v5, v5;
	v8 =	vsub.f32 v8, v15;
	v6 =	vmul.f32 v33, v33  }
0x8b: {  	v36 =	vsub.f32 $6.400000000e+01, v4;
	v10 =	vmul.f32 v13, v10;
	v37 =	vpop (erf);
	v38 =	vsub.f32 $0.0e+00, v3  }
0x8c: {  	v7 =	vadd.f32 v35, v34;
	v39 =	vpop (erf);
	v5 =	vadd.f32 v6, v5;
	v40 =	vmul.f32 v8, v8  }
0x8d: {  	v41 =	vmul.f32 $1.442695020e+00, v10;
	v9 =	vmul.f32 v39, v38  }
0x8e: {  	(erf) = vrcp.f32 v36;
	v42 =	vsub.f32 $6.400000000e+01, v7;
	v5 =	vadd.f32 v40, v5  }
0x8f: {  	(erf) = vpow2.f32 v41;
	v43 =	vmul.f32 $1.442695020e+00, v9  }
0x90: {  	(erf) = vrcp.f32 v42;
	v44 =	vsub.f32 $6.400000000e+01, v5  }
0x91: {  	(erf) = vpow2.f32 v43  }
0x92: {  	(erf) = vrcp.f32 v44;
	_ =	sdelay $0x3  }
0x93: {  	v45 =	vpop (erf)  }
0x94: {  	v46 =	vpop (erf)  }
0x95: {  	v47 =	vsub.f32 $0.0e+00, v4;
	v48 =	vpop (erf)  }
0x96: {  	v49 =	vsub.f32 $0.0e+00, v7;
	v50 =	vpop (erf)  }
0x97: {  	v52 =	vsub.f32 $0.0e+00, v5;
	v8 =	vmul.f32 v46, v47;
	v51 =	vpop (erf)  }
0x98: {  	v11 =	vmul.f32 v50, v49;
	v53 =	vpop (erf)  }
0x99: {  	v8 =	vmul.f32 $1.442695020e+00, v8;
	v13 =	vmul.f32 v53, v52  }
0x9a: {  	v11 =	vmul.f32 $1.442695020e+00, v11  }
0x9b: {  	(erf) = vpow2.f32 v8;
	v54 =	vmul.f32 $1.442695020e+00, v13  }
0x9c: {  	(erf) = vpow2.f32 v11  }
0x9d: {  	(erf) = vpow2.f32 v54  }
0x9e: {  	vm0 =	vlt.f32 v0, $6.400000000e+01  }
0x9f: {  	[tilespmem:s14+$0x7000] =	vst v4;
	v0 =	vnsel vm0, $0x0, v37  }
0xa0: {  	vm10 =	vlt.f32 v1, $6.400000000e+01;
	[tilespmem:s31+$0x7800] =	vst v0  }
0xa1: {  	s17 =	smulhi.u32 $0x10624DD3, s9;
	[tilespmem:s15+$0x7000] =	vst v7;
	v55 =	vnsel vm10, $0x0, v45  }
0xa2: {  	vm11 =	vlt.f32 v2, $6.400000000e+01;
	[tilespmem:s10+$0x7800] =	vst v55  }
0xa3: {  	vm12 =	vlt.f32 v3, $6.400000000e+01;
	s17 =	sshrl.u32 s17, $0xA;
	[tilespmem:s16+$0x7000] =	vst v5;
	v56 =	vnsel vm11, $0x0, v48  }
0xa4: {  	vm13 =	vlt.f32 v4, $6.400000000e+01;
	s18 =	smul.u32 $0x180, s17;
	[tilespmem:s2+$0x7800] =	vst v56;
	v57 =	vnsel vm12, $0x0, v51;
	v58 =	vpop (erf)  }
0xa5: {  	vm14 =	vlt.f32 v7, $6.400000000e+01;
	[tilespmem:s12+$0x7800] =	vst v57;
	v59 =	vnsel vm13, $0x0, v58;
	v60 =	vpop (erf)  }
0xa6: {  	vm15 =	vlt.f32 v5, $6.400000000e+01;
	s2 =	sadd.s32 s9, s18;
	[tilespmem:s14+$0x7800] =	vst v59;
	v61 =	vnsel vm14, $0x0, v60;
	v62 =	vpop (erf)  }
0xa7: {  	s31 =	rddreg [dreg:$0x2];
	s2 =	sshrl.u32 s2, $0x3;
	[tilespmem:s15+$0x7800] =	vst v61;
	v63 =	vnsel vm15, $0x0, v62  }
0xa8: {  	s2 =	sadd.s32 s31, s2;
	[tilespmem:s16+$0x7800] =	vst v63  }
0xa9: {  	[hbm4b:s2+s4] =	stream.linear.scatter [tilespmem:s29], [sflag:$0x3], $0x7D0, $0x38;
	[tilespmem:$0xC940] =	vst v63  }
0xaa: {  	s0 =	sadd.s32 $0x1, s0;
	_ =	swait.ge [sflag:s11], $0x7D0  }
0xab: {  	p1 =	sne.s32 s0, $0x19;
	[sflag:s11] =	ssyncset.done $0x0  }
.Ltmp2:
0xac: {  	s1 =	sadd.s32 s7, s1;
	[sflag:s11] =	ssyncadd.s32 $0xFFFFF830;
	(pc) =	sbr.rel @p1 .LBB2_2-.Ltmp2, $4  }
0xad: {  	[hbm4b:s1+s4] =	stream.linear.scatter [tilespmem:s30], [sflag:$0x3], $0x7D0, $0x38;
	[tilespmem:$0xC940] =	vst v63  }
0xae: {  	_ =	swait.ge [sflag:s11], $0x7D0  }
0xaf: {  	[sflag:s11] =	ssyncset.done $0x0  }
0xb0: {  	[sflag:s11] =	ssyncadd.s32 $0xFFFFF830  }
0xb1: {  	s1 =	rddreg [dreg:$0x7]  }
0xb2: {  	s0 =	rddreg [dreg:$0x5];
	s1 =	sadd.s32 $0x1, s1  }
0xb3: {  	p1 =	sne.s32 s1, s0  }
.Ltmp3:
0xb4: {  	_ = 	snop;
	(pc) =	sbr.rel @p1 .LBB2_1-.Ltmp3, $1  }
0xb5: {  	_ =	sdelay $0x3  }
0xb6: {  	_ =	sfence.sel $0x180000  }
0xb7: {  	[bflag:$0x0] =	sbarrier.arrive $0xFFFF  }
0xb8: {  	_ =	strace $0x90000047  }
0xb9: {  	[bflag:$0x2] =	sbarrier.arrive $0xFFFF  }
0xba: {  	s0 =	rddreg [dreg:$0x4]  }
0xbb: {  	s0 =	sadd.s32 @!p0 $0x100000, s0  }
0xbc: {  	[sflag:s0] =	ssyncadd.tile.s32 @!p0 $0x1;
	_ =	shalt  }
.Lfunc_end2:
_tile_overlayer_lowered:
.L_overlay_start_2:
0xbd: {  	(tag) =	ssettag $0x2  }
0xbe: {  	s0 =	rddreg [dreg:$0x0];
	s2 =	stileid.u32  }
0xbf: {  	s1 =	rddreg [dreg:$0x1];
	p0 =	sne.s32 s2, $0x0  }
0xc0: {  	s3 =	rddreg [dreg:$0x2];
	[bflag:$0x3] =	sbarrier.arrive $0xFFFF;
	s2 =	simm.s32 @!p0 $0x1C03  }
0xc1: {  	[timem:s3], [sflag:s2] =	dma.local @!p0 [hbm:s0], s1  }
0xc2: {  	s0 =	simm.s32 @!p0 $0x3  }
0xc3: {  	_ =	swait.ge @!p0 [sflag:s0], s1  }
0xc4: {  	s1 =	ssub.s32 @!p0 $0x0, s1;
	[sflag:s0] =	ssyncset.done @!p0 $0x0  }
0xc5: {  	[sflag:s0] =	ssyncadd.s32 @!p0 s1  }
0xc6: {  	[bflag:$0x3] =	sbarrier.arrive $0xFFFF  }
0xc7: {  	_ =	shalt  }

</sc_bundles>
